<compile_context>
chip_gen: v7x
topology: tpu7x:2x2x1
jax: 0.10.2.dev20260603
libtpu: 0.0.44.dev20260713+nightly
codegen_flags: <defaults>
</compile_context>

<pallas_src>
import jax
import jax.numpy as jnp
from jax import lax
from jax.experimental import pallas as pl
from jax.experimental.pallas import tpu as pltpu
from jax.experimental.pallas import tpu_sc as plsc

N = 10000
E = 320000
D = 128
H = 256
EPS = 1e-07
BN_EPS = 1e-05

NC = 2
NS = 16
CH = 88
NB = 4
NI = 6
NCHUNK = 228
NGRP = NCHUNK // NI
EPT = NCHUNK * CH
EPAD = EPT * NS
NPAD = 10112
RPT = NPAD // NS


def _prep_body(x_ref, t_ref, tab_ref):
    t = t_ref[0, 0]
    y = jnp.maximum(x_ref[...], 0.0) + EPS
    ey = jnp.exp(t * y)
    tab_ref[...] = jnp.zeros((2 * NPAD, D), jnp.float32)
    tab_ref[pl.ds(0, N), :] = ey
    tab_ref[pl.ds(NPAD, N), :] = y * ey


def _prep(x, t):
    return pl.pallas_call(
        _prep_body,
        out_shape=jax.ShapeDtypeStruct((2 * NPAD, D), jnp.float32),
    )(x, t.reshape(1, 1))


def _sc_body(tab_hbm, sd_hbm, zeros_hbm, out_hbm,
             acc, idxb, rows,
             i0, i1, g0, g1, g2, g3, s0, s1, s2, s3):
    isems = (i0, i1)
    gsems = (g0, g1, g2, g3)
    ssems = (s0, s1, s2, s3)
    c = lax.axis_index("c")
    s = lax.axis_index("s")

    pltpu.sync_copy(zeros_hbm, acc.at[pl.ds(s * RPT, RPT)])
    plsc.subcore_barrier()

    def issue_idx(j, slot):
        pltpu.async_copy(sd_hbm.at[c, s, j], idxb.at[slot], isems[slot])

    def wait_idx(slot):
        pltpu.make_async_copy(sd_hbm.at[0, 0, 0], idxb.at[slot],
                              isems[slot]).wait()

    def issue_gather(slot, u, b):
        pltpu.async_copy(tab_hbm.at[idxb.at[slot, u, 0]], rows.at[b],
                         gsems[b])

    def wait_gather(b):
        pltpu.make_async_copy(tab_hbm.at[idxb.at[0, 0, 0]], rows.at[b],
                              gsems[b]).wait()

    def issue_scatter(slot, u, b):
        pltpu.async_copy(rows.at[b], acc.at[idxb.at[slot, u, 1]], ssems[b],
                         add=True)

    def wait_scatter(b):
        pltpu.make_async_copy(rows.at[b], acc.at[idxb.at[0, 0, 1]],
                              ssems[b]).wait()

    issue_idx(0, 0)
    wait_idx(0)
    issue_gather(0, 0, 0)
    issue_gather(0, 1, 1)
    issue_gather(0, 2, 2)

    @pl.loop(0, NGRP // 2)
    def _grp2(gg):
        for gpar in range(2):
            g = gg * 2 + gpar
            for u in range(NI):
                k = g * NI + u
                b = (u + 2 * gpar) % NB

                @pl.when(k >= 1)
                def _():
                    wait_scatter((b + 3) % NB)

                if u == 1:
                    @pl.when(g + 1 < NGRP)
                    def _():
                        issue_idx(g + 1, 1 - gpar)

                if u == 3:
                    @pl.when(k + 3 < NCHUNK)
                    def _():
                        wait_idx(1 - gpar)

                @pl.when(k + 3 < NCHUNK)
                def _():
                    if u < 3:
                        issue_gather(gpar, u + 3, (b + 3) % NB)
                    else:
                        issue_gather(1 - gpar, u - 3, (b + 3) % NB)

                wait_gather(b)
                issue_scatter(gpar, u, b)

    wait_scatter(3)

    plsc.subcore_barrier()
    pltpu.sync_copy(acc.at[pl.ds(s * RPT, RPT)],
                    out_hbm.at[pl.ds(c * NPAD + s * RPT, RPT)])


_sc_edge_cache = []


def _sc_edge():
    if not _sc_edge_cache:
        _sc_edge_cache.append(pl.kernel(
            _sc_body,
            out_type=jax.ShapeDtypeStruct((2 * NPAD, D), jnp.float32),
            mesh=plsc.VectorSubcoreMesh(core_axis_name="c",
                                        subcore_axis_name="s",
                                        num_cores=NC, num_subcores=NS),
            scratch_types=[
                pltpu.VMEM_SHARED((NPAD, D), jnp.float32),
                pltpu.VMEM((2, NI, 2, CH), jnp.int32),
                pltpu.VMEM((NB, CH, D), jnp.float32),
            ] + [pltpu.SemaphoreType.DMA] * 10,
        ))
    return _sc_edge_cache[0]


TILE = 1000
GRID1 = N // TILE


def _mlp_body(x_ref, den_ref, num_ref, w1_ref, b1_ref,
              gamma_ref, beta_ref, w2_ref, b2_ref,
              out_ref, h1_ref, s1_ref, s2_ref):
    i = pl.program_id(0)

    @pl.when(i < GRID1)
    def _():
        agg = num_ref[0] / (den_ref[0] + 1e-16)
        h = x_ref[...] + agg
        h1 = jnp.dot(h, w1_ref[...], preferred_element_type=jnp.float32)
        h1 = h1 + b1_ref[...]
        h1_ref[i, :, :] = h1
        ps1 = jnp.sum(h1, axis=0, keepdims=True)
        ps2 = jnp.sum(h1 * h1, axis=0, keepdims=True)

        @pl.when(i == 0)
        def _():
            s1_ref[...] = ps1
            s2_ref[...] = ps2

        @pl.when(i > 0)
        def _():
            s1_ref[...] += ps1
            s2_ref[...] += ps2

    @pl.when(i >= GRID1)
    def _():
        mean = s1_ref[...] / N
        var = s2_ref[...] / N - mean * mean
        scale = gamma_ref[...] * lax.rsqrt(var + BN_EPS)
        shift = beta_ref[...] - mean * scale
        h1 = h1_ref[i - GRID1, :, :] * scale + shift
        h1 = jnp.maximum(h1, 0.0)
        out = jnp.dot(h1, w2_ref[...], preferred_element_type=jnp.float32)
        out_ref[...] = out + b2_ref[...]


def _mlp(x, sums, W1, b1, gamma, beta, W2, b2):
    pin = jnp.minimum
    return pl.pallas_call(
        _mlp_body,
        grid=(2 * GRID1,),
        in_specs=[
            pl.BlockSpec((TILE, D), lambda i: (pin(i, GRID1 - 1), 0)),
            pl.BlockSpec((1, TILE, D), lambda i: (0, pin(i, GRID1 - 1), 0)),
            pl.BlockSpec((1, TILE, D), lambda i: (1, pin(i, GRID1 - 1), 0)),
            pl.BlockSpec((D, H), lambda i: (0, 0)),
            pl.BlockSpec((1, H), lambda i: (0, 0)),
            pl.BlockSpec((1, H), lambda i: (0, 0)),
            pl.BlockSpec((1, H), lambda i: (0, 0)),
            pl.BlockSpec((H, D), lambda i: (0, 0)),
            pl.BlockSpec((1, D), lambda i: (0, 0)),
        ],
        out_specs=pl.BlockSpec(
            (TILE, D), lambda i: (jnp.maximum(i - GRID1, 0), 0)),
        out_shape=jax.ShapeDtypeStruct((N, D), jnp.float32),
        scratch_shapes=[
            pltpu.VMEM((GRID1, TILE, H), jnp.float32),
            pltpu.VMEM((1, H), jnp.float32),
            pltpu.VMEM((1, H), jnp.float32),
        ],
    )(x, sums, sums, W1, b1.reshape(1, H), gamma.reshape(1, H),
      beta.reshape(1, H), W2, b2.reshape(1, D))


def kernel(x, edge_index, t, W1, b1, gamma, beta, W2, b2):
    src = edge_index[0]
    dst = edge_index[1]
    pad = EPAD - E
    src_pad = jnp.concatenate([src, jnp.full((pad,), N, jnp.int32)])
    dst_pad = jnp.concatenate([dst, jnp.full((pad,), N, jnp.int32)])
    src4 = jnp.stack([src_pad, src_pad + NPAD]).reshape(2, NS, NCHUNK, 1, CH)
    dst4 = jnp.broadcast_to(dst_pad.reshape(1, NS, NCHUNK, 1, CH),
                            (2, NS, NCHUNK, 1, CH))
    sd = jnp.concatenate([src4, dst4], axis=3)
    sd = sd.reshape(2, NS, NGRP, NI, 2, CH)
    zeros = jnp.zeros((RPT, D), jnp.float32)

    tab = _prep(x, t)
    sums = _sc_edge()(tab, sd, zeros)
    sums3 = sums.reshape(2, NPAD, D)
    return _mlp(x, sums3, W1, b1, gamma, beta, W2, b2)

# --- scband reference (transcript-rebuilt; emitter-appended) ---
"""Pipeline reference for scband-deeper-gcn-75136157876973 (READ-ONLY COPY).

The authoritative reference and input builder live on the scoring server;
editing this copy changes nothing except your own understanding.
"""

import jax, jax.numpy as jnp
import numpy as np

N = 10000
E = 320000
D = 128
H = 256
EPS = 1e-07
BN_EPS = 1e-05

def setup_inputs(seed: int = 0):
    key = jax.random.key(seed)
    ks = jax.random.split(key, 8)
    x = jax.random.normal(ks[0], (N, D), dtype=jnp.float32)
    edge_index = jax.random.randint(ks[1], (2, E), 0, N, dtype=jnp.int32)
    t = jnp.ones((1,), dtype=jnp.float32)
    W1 = jax.random.normal(ks[2], (D, H), dtype=jnp.float32) * 0.05
    b1 = jnp.zeros((H,), dtype=jnp.float32)
    gamma = jnp.ones((H,), dtype=jnp.float32)
    beta = jnp.zeros((H,), dtype=jnp.float32)
    W2 = jax.random.normal(ks[3], (H, D), dtype=jnp.float32) * 0.05
    b2 = jnp.zeros((D,), dtype=jnp.float32)
    return {"x": x, "edge_index": edge_index, "t": t, "W1": W1, "b1": b1, "gamma": gamma, "beta": beta, "W2": W2, "b2": b2}

def reference(x, edge_index, t, W1, b1, gamma, beta, W2, b2):
    src = edge_index[0]
    dst = edge_index[1]
    # message: msg = relu(x_j) + eps  (no edge_attr)
    msg = jax.nn.relu(x[src]) + EPS
    # softmax aggregation with learnable temperature t (scatter_softmax over dst)
    logits = msg * t
    seg_max = jax.ops.segment_max(logits, dst, num_segments=N)
    seg_max = jnp.where(jnp.isfinite(seg_max), seg_max, 0.0)
    ex = jnp.exp(logits - seg_max[dst])
    denom = jax.ops.segment_sum(ex, dst, num_segments=N)
    alpha = ex / (denom[dst] + 1e-16)
    agg = jax.ops.segment_sum(msg * alpha, dst, num_segments=N)
    # residual + MLP [D -> 2D -> D] with BatchNorm (training-mode batch stats) + ReLU, last layer linear
    h = x + agg
    h1 = h @ W1 + b1
    mean = jnp.mean(h1, axis=0)
    var = jnp.var(h1, axis=0)
    h1 = (h1 - mean) / jnp.sqrt(var + BN_EPS) * gamma + beta
    h1 = jax.nn.relu(h1)
    out = h1 @ W2 + b2
    return out

if __name__ == "__main__":
    import jax
    _d = setup_inputs()
    print(jax.jit(kernel)(*tuple(_d.values())))

</pallas_src>

<mosaic_0001>
#map = affine_map<(d0, d1) -> (0, 0)>
#map1 = affine_map<(d0, d1) -> (0, 0, 0, 0, 0, 0)>
module attributes {stable_mosaic.version = 14 : i64} {
  func.func @_sc_body(%arg0: i32, %arg1: i32, %arg2: memref<20224x128xf32, #tpu.memory_space<hbm>>, %arg3: memref<2x16x38x6x2x88xi32, #tpu.memory_space<hbm>>, %arg4: memref<632x128xf32, #tpu.memory_space<hbm>>, %arg5: memref<20224x128xf32, #tpu.memory_space<hbm>>, %arg6: memref<10112x128xf32, #tpu.memory_space<vmem_shared>>, %arg7: memref<2x6x2x88xi32, #tpu.memory_space<vmem>>, %arg8: memref<4x88x128xf32, #tpu.memory_space<vmem>>, %arg9: memref<!tpu.dma_semaphore, #tpu.memory_space<semaphore_mem>>, %arg10: memref<!tpu.dma_semaphore, #tpu.memory_space<semaphore_mem>>, %arg11: memref<!tpu.dma_semaphore, #tpu.memory_space<semaphore_mem>>, %arg12: memref<!tpu.dma_semaphore, #tpu.memory_space<semaphore_mem>>, %arg13: memref<!tpu.dma_semaphore, #tpu.memory_space<semaphore_mem>>, %arg14: memref<!tpu.dma_semaphore, #tpu.memory_space<semaphore_mem>>, %arg15: memref<!tpu.dma_semaphore, #tpu.memory_space<semaphore_mem>>, %arg16: memref<!tpu.dma_semaphore, #tpu.memory_space<semaphore_mem>>, %arg17: memref<!tpu.dma_semaphore, #tpu.memory_space<semaphore_mem>>, %arg18: memref<!tpu.dma_semaphore, #tpu.memory_space<semaphore_mem>>) attributes {dimension_semantics = [#tpu.dimension_semantics<core_parallel>, #tpu.dimension_semantics<subcore_parallel>], iteration_bounds = array<i64: 2, 16>, scalar_prefetch = 0 : i64, scratch_operands = 13 : i64, tpu.core_type = #tpu.core_type<sc_vector_subcore>, window_params = [{transform_indices = #map}, {transform_indices = #map1}, {transform_indices = #map}, {transform_indices = #map}]} {
    %mul3A = arith.constant 632 : i32
    %mul3A_0 = arith.muli %arg1, %mul3A : i32
    "tpu.region"() ({
      %run_scoped3A = tpu.sem_alloc : memref<!tpu.dma_semaphore, #tpu.memory_space<semaphore_mem>>
      %dma_start3A_112 = arith.constant 0 : i32
      %dma_start3A_113 = tpu.memref_slice %arg6[%mul3A_0, %dma_start3A_112] : memref<10112x128xf32, #tpu.memory_space<vmem_shared>> -> memref<632x128xf32, #tpu.memory_space<vmem_shared>>
      tpu.enqueue_dma source(%arg4 : memref<632x128xf32, #tpu.memory_space<hbm>>) target(%dma_start3A_113 : memref<632x128xf32, #tpu.memory_space<vmem_shared>>) target_semaphore(%run_scoped3A : memref<!tpu.dma_semaphore, #tpu.memory_space<semaphore_mem>>)
      %dma_wait3A_114 = arith.constant 0 : i32
      %dma_wait3A_115 = tpu.memref_slice %arg6[%mul3A_0, %dma_wait3A_114] : memref<10112x128xf32, #tpu.memory_space<vmem_shared>> -> memref<632x128xf32, #tpu.memory_space<vmem_shared>>
      tpu.wait_dma2 semaphore(%run_scoped3A : memref<!tpu.dma_semaphore, #tpu.memory_space<semaphore_mem>>) src(%arg4 : memref<632x128xf32, #tpu.memory_space<hbm>>) dst(%dma_wait3A_115 : memref<632x128xf32, #tpu.memory_space<vmem_shared>>)
      tpu.yield
    }) : () -> ()
    %barrier3A = arith.constant 0 : index
    tpu.barrier barrier_id(%barrier3A)
    %dma_start3A = arith.constant 0 : i32
    %dma_start3A_1 = arith.constant 0 : i32
    %dma_start3A_2 = arith.constant 0 : i32
    %dma_start3A_3 = arith.constant 0 : i32
    %dma_start3A_4 = arith.constant 0 : i32
    %dma_start3A_5 = tpu.memref_slice %arg7[%dma_start3A_1, %dma_start3A_2, %dma_start3A_3, %dma_start3A_4] : memref<2x6x2x88xi32, #tpu.memory_space<vmem>> -> memref<1x6x2x88xi32, #tpu.memory_space<vmem>>
    %dma_start3A_6 = tpu.memref_squeeze %dma_start3A_5 : memref<1x6x2x88xi32, #tpu.memory_space<vmem>> -> memref<6x2x88xi32, #tpu.memory_space<vmem>>
    %dma_start3A_7 = arith.constant 0 : i32
    %dma_start3A_8 = arith.constant 0 : i32
    %dma_start3A_9 = arith.constant 0 : i32
    %dma_start3A_10 = tpu.memref_slice %arg3[%arg0, %arg1, %dma_start3A, %dma_start3A_7, %dma_start3A_8, %dma_start3A_9] : memref<2x16x38x6x2x88xi32, #tpu.memory_space<hbm>> -> memref<1x1x1x6x2x88xi32, #tpu.memory_space<hbm>>
    %dma_start3A_11 = tpu.memref_squeeze %dma_start3A_10 : memref<1x1x1x6x2x88xi32, #tpu.memory_space<hbm>> -> memref<6x2x88xi32, #tpu.memory_space<hbm>>
    %dma_start3A_12 = arith.constant 0 : i32
    %dma_start3A_13 = arith.constant 0 : i32
    %dma_start3A_14 = arith.constant 0 : i32
    %dma_start3A_15 = tpu.memref_slice %arg7[%dma_start3A_1, %dma_start3A_12, %dma_start3A_13, %dma_start3A_14] : memref<2x6x2x88xi32, #tpu.memory_space<vmem>> -> memref<1x6x2x88xi32, #tpu.memory_space<vmem>>
    %dma_start3A_16 = tpu.memref_squeeze %dma_start3A_15 : memref<1x6x2x88xi32, #tpu.memory_space<vmem>> -> memref<6x2x88xi32, #tpu.memory_space<vmem>>
    %dma_start3A_17 = arith.constant 0 : i32
    %dma_start3A_18 = arith.constant 0 : i32
    %dma_start3A_19 = arith.constant 0 : i32
    %dma_start3A_20 = tpu.memref_slice %arg3[%arg0, %arg1, %dma_start3A, %dma_start3A_17, %dma_start3A_18, %dma_start3A_19] : memref<2x16x38x6x2x88xi32, #tpu.memory_space<hbm>> -> memref<1x1x1x6x2x88xi32, #tpu.memory_space<hbm>>
    %dma_start3A_21 = tpu.memref_squeeze %dma_start3A_20 : memref<1x1x1x6x2x88xi32, #tpu.memory_space<hbm>> -> memref<6x2x88xi32, #tpu.memory_space<hbm>>
    tpu.enqueue_dma source(%dma_start3A_21 : memref<6x2x88xi32, #tpu.memory_space<hbm>>) target(%dma_start3A_16 : memref<6x2x88xi32, #tpu.memory_space<vmem>>) target_semaphore(%arg9 : memref<!tpu.dma_semaphore, #tpu.memory_space<semaphore_mem>>)
    %dma_wait3A = arith.constant 0 : i32
    %dma_wait3A_22 = arith.constant 0 : i32
    %dma_wait3A_23 = arith.constant 0 : i32
    %dma_wait3A_24 = arith.constant 0 : i32
    %dma_wait3A_25 = arith.constant 0 : i32
    %dma_wait3A_26 = arith.constant 0 : i32
    %dma_wait3A_27 = arith.constant 0 : i32
    %dma_wait3A_28 = tpu.memref_slice %arg7[%dma_wait3A_24, %dma_wait3A_25, %dma_wait3A_26, %dma_wait3A_27] : memref<2x6x2x88xi32, #tpu.memory_space<vmem>> -> memref<1x6x2x88xi32, #tpu.memory_space<vmem>>
    %dma_wait3A_29 = tpu.memref_squeeze %dma_wait3A_28 : memref<1x6x2x88xi32, #tpu.memory_space<vmem>> -> memref<6x2x88xi32, #tpu.memory_space<vmem>>
    %dma_wait3A_30 = arith.constant 0 : i32
    %dma_wait3A_31 = arith.constant 0 : i32
    %dma_wait3A_32 = arith.constant 0 : i32
    %dma_wait3A_33 = tpu.memref_slice %arg3[%dma_wait3A, %dma_wait3A_22, %dma_wait3A_23, %dma_wait3A_30, %dma_wait3A_31, %dma_wait3A_32] : memref<2x16x38x6x2x88xi32, #tpu.memory_space<hbm>> -> memref<1x1x1x6x2x88xi32, #tpu.memory_space<hbm>>
    %dma_wait3A_34 = tpu.memref_squeeze %dma_wait3A_33 : memref<1x1x1x6x2x88xi32, #tpu.memory_space<hbm>> -> memref<6x2x88xi32, #tpu.memory_space<hbm>>
    %dma_wait3A_35 = arith.constant 0 : i32
    %dma_wait3A_36 = arith.constant 0 : i32
    %dma_wait3A_37 = arith.constant 0 : i32
    %dma_wait3A_38 = tpu.memref_slice %arg7[%dma_wait3A_24, %dma_wait3A_35, %dma_wait3A_36, %dma_wait3A_37] : memref<2x6x2x88xi32, #tpu.memory_space<vmem>> -> memref<1x6x2x88xi32, #tpu.memory_space<vmem>>
    %dma_wait3A_39 = tpu.memref_squeeze %dma_wait3A_38 : memref<1x6x2x88xi32, #tpu.memory_space<vmem>> -> memref<6x2x88xi32, #tpu.memory_space<vmem>>
    %dma_wait3A_40 = arith.constant 0 : i32
    %dma_wait3A_41 = arith.constant 0 : i32
    %dma_wait3A_42 = arith.constant 0 : i32
    %dma_wait3A_43 = tpu.memref_slice %arg3[%dma_wait3A, %dma_wait3A_22, %dma_wait3A_23, %dma_wait3A_40, %dma_wait3A_41, %dma_wait3A_42] : memref<2x16x38x6x2x88xi32, #tpu.memory_space<hbm>> -> memref<1x1x1x6x2x88xi32, #tpu.memory_space<hbm>>
    %dma_wait3A_44 = tpu.memref_squeeze %dma_wait3A_43 : memref<1x1x1x6x2x88xi32, #tpu.memory_space<hbm>> -> memref<6x2x88xi32, #tpu.memory_space<hbm>>
    tpu.wait_dma2 semaphore(%arg9 : memref<!tpu.dma_semaphore, #tpu.memory_space<semaphore_mem>>) src(%dma_wait3A_44 : memref<6x2x88xi32, #tpu.memory_space<hbm>>) dst(%dma_wait3A_39 : memref<6x2x88xi32, #tpu.memory_space<vmem>>)
    %dma_start3A_45 = arith.constant 0 : i32
    %dma_start3A_46 = arith.constant 0 : i32
    %dma_start3A_47 = arith.constant 0 : i32
    %dma_start3A_48 = arith.constant 0 : i32
    %dma_start3A_49 = arith.constant 0 : i32
    %dma_start3A_50 = arith.constant 0 : i32
    %dma_start3A_51 = tpu.memref_slice %arg8[%dma_start3A_48, %dma_start3A_49, %dma_start3A_50] : memref<4x88x128xf32, #tpu.memory_space<vmem>> -> memref<1x88x128xf32, #tpu.memory_space<vmem>>
    %dma_start3A_52 = tpu.memref_squeeze %dma_start3A_51 : memref<1x88x128xf32, #tpu.memory_space<vmem>> -> memref<88x128xf32, #tpu.memory_space<vmem>>
    %dma_start3A_53 = arith.constant 0 : i32
    %dma_start3A_54 = tpu.memref_slice %arg7[%dma_start3A_45, %dma_start3A_46, %dma_start3A_47, %dma_start3A_53] : memref<2x6x2x88xi32, #tpu.memory_space<vmem>> -> memref<1x1x1x88xi32, #tpu.memory_space<vmem>>
    %dma_start3A_55 = tpu.memref_squeeze %dma_start3A_54 : memref<1x1x1x88xi32, #tpu.memory_space<vmem>> -> memref<88xi32, #tpu.memory_space<vmem>>
    %dma_start3A_56 = arith.constant 0 : i32
    %dma_start3A_57 = arith.constant 0 : i32
    %dma_start3A_58 = tpu.memref_slice %arg2[%dma_start3A_56, %dma_start3A_57] : memref<20224x128xf32, #tpu.memory_space<hbm>> -> memref<20224x128xf32, #tpu.memory_space<hbm>>
    tpu.enqueue_indirect_dma source(%dma_start3A_58 : memref<20224x128xf32, #tpu.memory_space<hbm>>) target(%dma_start3A_52 : memref<88x128xf32, #tpu.memory_space<vmem>>) offsets(%dma_start3A_55 : memref<88xi32, #tpu.memory_space<vmem>>) semaphore(%arg11 : memref<!tpu.dma_semaphore, #tpu.memory_space<semaphore_mem>>)
    %dma_start3A_59 = arith.constant 0 : i32
    %dma_start3A_60 = arith.constant 1 : i32
    %dma_start3A_61 = arith.constant 0 : i32
    %dma_start3A_62 = arith.constant 1 : i32
    %dma_start3A_63 = arith.constant 0 : i32
    %dma_start3A_64 = arith.constant 0 : i32
    %dma_start3A_65 = tpu.memref_slice %arg8[%dma_start3A_62, %dma_start3A_63, %dma_start3A_64] : memref<4x88x128xf32, #tpu.memory_space<vmem>> -> memref<1x88x128xf32, #tpu.memory_space<vmem>>
    %dma_start3A_66 = tpu.memref_squeeze %dma_start3A_65 : memref<1x88x128xf32, #tpu.memory_space<vmem>> -> memref<88x128xf32, #tpu.memory_space<vmem>>
    %dma_start3A_67 = arith.constant 0 : i32
    %dma_start3A_68 = tpu.memref_slice %arg7[%dma_start3A_59, %dma_start3A_60, %dma_start3A_61, %dma_start3A_67] : memref<2x6x2x88xi32, #tpu.memory_space<vmem>> -> memref<1x1x1x88xi32, #tpu.memory_space<vmem>>
    %dma_start3A_69 = tpu.memref_squeeze %dma_start3A_68 : memref<1x1x1x88xi32, #tpu.memory_space<vmem>> -> memref<88xi32, #tpu.memory_space<vmem>>
    %dma_start3A_70 = arith.constant 0 : i32
    %dma_start3A_71 = arith.constant 0 : i32
    %dma_start3A_72 = tpu.memref_slice %arg2[%dma_start3A_70, %dma_start3A_71] : memref<20224x128xf32, #tpu.memory_space<hbm>> -> memref<20224x128xf32, #tpu.memory_space<hbm>>
    tpu.enqueue_indirect_dma source(%dma_start3A_72 : memref<20224x128xf32, #tpu.memory_space<hbm>>) target(%dma_start3A_66 : memref<88x128xf32, #tpu.memory_space<vmem>>) offsets(%dma_start3A_69 : memref<88xi32, #tpu.memory_space<vmem>>) semaphore(%arg12 : memref<!tpu.dma_semaphore, #tpu.memory_space<semaphore_mem>>)
    %dma_start3A_73 = arith.constant 0 : i32
    %dma_start3A_74 = arith.constant 2 : i32
    %dma_start3A_75 = arith.constant 0 : i32
    %dma_start3A_76 = arith.constant 2 : i32
    %dma_start3A_77 = arith.constant 0 : i32
    %dma_start3A_78 = arith.constant 0 : i32
    %dma_start3A_79 = tpu.memref_slice %arg8[%dma_start3A_76, %dma_start3A_77, %dma_start3A_78] : memref<4x88x128xf32, #tpu.memory_space<vmem>> -> memref<1x88x128xf32, #tpu.memory_space<vmem>>
    %dma_start3A_80 = tpu.memref_squeeze %dma_start3A_79 : memref<1x88x128xf32, #tpu.memory_space<vmem>> -> memref<88x128xf32, #tpu.memory_space<vmem>>
    %dma_start3A_81 = arith.constant 0 : i32
    %dma_start3A_82 = tpu.memref_slice %arg7[%dma_start3A_73, %dma_start3A_74, %dma_start3A_75, %dma_start3A_81] : memref<2x6x2x88xi32, #tpu.memory_space<vmem>> -> memref<1x1x1x88xi32, #tpu.memory_space<vmem>>
    %dma_start3A_83 = tpu.memref_squeeze %dma_start3A_82 : memref<1x1x1x88xi32, #tpu.memory_space<vmem>> -> memref<88xi32, #tpu.memory_space<vmem>>
    %dma_start3A_84 = arith.constant 0 : i32
    %dma_start3A_85 = arith.constant 0 : i32
    %dma_start3A_86 = tpu.memref_slice %arg2[%dma_start3A_84, %dma_start3A_85] : memref<20224x128xf32, #tpu.memory_space<hbm>> -> memref<20224x128xf32, #tpu.memory_space<hbm>>
    tpu.enqueue_indirect_dma source(%dma_start3A_86 : memref<20224x128xf32, #tpu.memory_space<hbm>>) target(%dma_start3A_80 : memref<88x128xf32, #tpu.memory_space<vmem>>) offsets(%dma_start3A_83 : memref<88xi32, #tpu.memory_space<vmem>>) semaphore(%arg13 : memref<!tpu.dma_semaphore, #tpu.memory_space<semaphore_mem>>)
    %scan3A = arith.constant 0 : i32
    %scan3A_87 = arith.constant 19 : i32
    %scan3A_88 = arith.addi %scan3A, %scan3A_87 : i32
    %scan3A_89 = arith.constant 1 : i32
    scf.for %scan3A_112 = %scan3A to %scan3A_88 step %scan3A_89  : i32 {
      %mul3A_113 = arith.constant 1 : i32
      %mul3A_114 = arith.muli %scan3A_112, %mul3A_113 : i32
      %add3A_115 = arith.constant 0 : i32
      %add3A_116 = arith.addi %add3A_115, %mul3A_114 : i32
      %mul3A_117 = arith.constant 2 : i32
      %mul3A_118 = arith.muli %add3A_116, %mul3A_117 : i32
      %add3A_119 = arith.constant 0 : i32
      %add3A_120 = arith.addi %mul3A_118, %add3A_119 : i32
      %mul3A_121 = arith.constant 6 : i32
      %mul3A_122 = arith.muli %add3A_120, %mul3A_121 : i32
      %add3A_123 = arith.constant 0 : i32
      %add3A_124 = arith.addi %mul3A_122, %add3A_123 : i32
      %ge3A = arith.constant 1 : i32
      %ge3A_125 = arith.cmpi sge, %add3A_124, %ge3A : i32
      %convert_element_type3A = arith.extui %ge3A_125 : i1 to i32
      %cond3A = arith.constant 0 : i32
      %cond3A_126 = arith.cmpi ne, %convert_element_type3A, %cond3A : i32
      scf.if %cond3A_126 {
        %dma_wait3A_677 = arith.constant 3 : i32
        %dma_wait3A_678 = arith.constant 0 : i32
        %dma_wait3A_679 = arith.constant 0 : i32
        %dma_wait3A_680 = arith.constant 1 : i32
        %dma_wait3A_681 = arith.constant 0 : i32
        %dma_wait3A_682 = arith.constant 0 : i32
        %dma_wait3A_683 = tpu.memref_slice %arg8[%dma_wait3A_677, %dma_wait3A_681, %dma_wait3A_682] : memref<4x88x128xf32, #tpu.memory_space<vmem>> -> memref<1x88x128xf32, #tpu.memory_space<vmem>>
        %dma_wait3A_684 = tpu.memref_squeeze %dma_wait3A_683 : memref<1x88x128xf32, #tpu.memory_space<vmem>> -> memref<88x128xf32, #tpu.memory_space<vmem>>
        %dma_wait3A_685 = arith.constant 0 : i32
        %dma_wait3A_686 = tpu.memref_slice %arg7[%dma_wait3A_678, %dma_wait3A_679, %dma_wait3A_680, %dma_wait3A_685] : memref<2x6x2x88xi32, #tpu.memory_space<vmem>> -> memref<1x1x1x88xi32, #tpu.memory_space<vmem>>
        %dma_wait3A_687 = tpu.memref_squeeze %dma_wait3A_686 : memref<1x1x1x88xi32, #tpu.memory_space<vmem>> -> memref<88xi32, #tpu.memory_space<vmem>>
        %dma_wait3A_688 = arith.constant 0 : i32
        %dma_wait3A_689 = arith.constant 0 : i32
        %dma_wait3A_690 = tpu.memref_slice %arg6[%dma_wait3A_688, %dma_wait3A_689] : memref<10112x128xf32, #tpu.memory_space<vmem_shared>> -> memref<10112x128xf32, #tpu.memory_space<vmem_shared>>
        tpu.wait_indirect_dma semaphore(%arg18 : memref<!tpu.dma_semaphore, #tpu.memory_space<semaphore_mem>>) src(%dma_wait3A_684 : memref<88x128xf32, #tpu.memory_space<vmem>>) dst(%dma_wait3A_690 : memref<10112x128xf32, #tpu.memory_space<vmem_shared>>)
      } else {
      }
      %add3A_127 = arith.constant 3 : i32
      %add3A_128 = arith.addi %add3A_124, %add3A_127 : i32
      %lt3A = arith.constant 228 : i32
      %lt3A_129 = arith.cmpi slt, %add3A_128, %lt3A : i32
      %convert_element_type3A_130 = arith.extui %lt3A_129 : i1 to i32
      %cond3A_131 = arith.constant 0 : i32
      %cond3A_132 = arith.cmpi ne, %convert_element_type3A_130, %cond3A_131 : i32
      scf.if %cond3A_132 {
        %dma_start3A_677 = arith.constant 0 : i32
        %dma_start3A_678 = arith.constant 3 : i32
        %dma_start3A_679 = arith.constant 0 : i32
        %dma_start3A_680 = arith.constant 3 : i32
        %dma_start3A_681 = arith.constant 0 : i32
        %dma_start3A_682 = arith.constant 0 : i32
        %dma_start3A_683 = tpu.memref_slice %arg8[%dma_start3A_680, %dma_start3A_681, %dma_start3A_682] : memref<4x88x128xf32, #tpu.memory_space<vmem>> -> memref<1x88x128xf32, #tpu.memory_space<vmem>>
        %dma_start3A_684 = tpu.memref_squeeze %dma_start3A_683 : memref<1x88x128xf32, #tpu.memory_space<vmem>> -> memref<88x128xf32, #tpu.memory_space<vmem>>
        %dma_start3A_685 = arith.constant 0 : i32
        %dma_start3A_686 = tpu.memref_slice %arg7[%dma_start3A_677, %dma_start3A_678, %dma_start3A_679, %dma_start3A_685] : memref<2x6x2x88xi32, #tpu.memory_space<vmem>> -> memref<1x1x1x88xi32, #tpu.memory_space<vmem>>
        %dma_start3A_687 = tpu.memref_squeeze %dma_start3A_686 : memref<1x1x1x88xi32, #tpu.memory_space<vmem>> -> memref<88xi32, #tpu.memory_space<vmem>>
        %dma_start3A_688 = arith.constant 0 : i32
        %dma_start3A_689 = arith.constant 0 : i32
        %dma_start3A_690 = tpu.memref_slice %arg2[%dma_start3A_688, %dma_start3A_689] : memref<20224x128xf32, #tpu.memory_space<hbm>> -> memref<20224x128xf32, #tpu.memory_space<hbm>>
        tpu.enqueue_indirect_dma source(%dma_start3A_690 : memref<20224x128xf32, #tpu.memory_space<hbm>>) target(%dma_start3A_684 : memref<88x128xf32, #tpu.memory_space<vmem>>) offsets(%dma_start3A_687 : memref<88xi32, #tpu.memory_space<vmem>>) semaphore(%arg14 : memref<!tpu.dma_semaphore, #tpu.memory_space<semaphore_mem>>)
      } else {
      }
      %dma_wait3A_133 = arith.constant 0 : i32
      %dma_wait3A_134 = arith.constant 0 : i32
      %dma_wait3A_135 = arith.constant 0 : i32
      %dma_wait3A_136 = arith.constant 0 : i32
      %dma_wait3A_137 = arith.constant 0 : i32
      %dma_wait3A_138 = arith.constant 0 : i32
      %dma_wait3A_139 = tpu.memref_slice %arg8[%dma_wait3A_136, %dma_wait3A_137, %dma_wait3A_138] : memref<4x88x128xf32, #tpu.memory_space<vmem>> -> memref<1x88x128xf32, #tpu.memory_space<vmem>>
      %dma_wait3A_140 = tpu.memref_squeeze %dma_wait3A_139 : memref<1x88x128xf32, #tpu.memory_space<vmem>> -> memref<88x128xf32, #tpu.memory_space<vmem>>
      %dma_wait3A_141 = arith.constant 0 : i32
      %dma_wait3A_142 = tpu.memref_slice %arg7[%dma_wait3A_133, %dma_wait3A_134, %dma_wait3A_135, %dma_wait3A_141] : memref<2x6x2x88xi32, #tpu.memory_space<vmem>> -> memref<1x1x1x88xi32, #tpu.memory_space<vmem>>
      %dma_wait3A_143 = tpu.memref_squeeze %dma_wait3A_142 : memref<1x1x1x88xi32, #tpu.memory_space<vmem>> -> memref<88xi32, #tpu.memory_space<vmem>>
      %dma_wait3A_144 = arith.constant 0 : i32
      %dma_wait3A_145 = arith.constant 0 : i32
      %dma_wait3A_146 = tpu.memref_slice %arg2[%dma_wait3A_144, %dma_wait3A_145] : memref<20224x128xf32, #tpu.memory_space<hbm>> -> memref<20224x128xf32, #tpu.memory_space<hbm>>
      tpu.wait_indirect_dma semaphore(%arg11 : memref<!tpu.dma_semaphore, #tpu.memory_space<semaphore_mem>>) src(%dma_wait3A_146 : memref<20224x128xf32, #tpu.memory_space<hbm>>) dst(%dma_wait3A_140 : memref<88x128xf32, #tpu.memory_space<vmem>>)
      %dma_start3A_147 = arith.constant 0 : i32
      %dma_start3A_148 = arith.constant 0 : i32
      %dma_start3A_149 = arith.constant 0 : i32
      %dma_start3A_150 = arith.constant 1 : i32
      %dma_start3A_151 = arith.constant 0 : i32
      %dma_start3A_152 = arith.constant 0 : i32
      %dma_start3A_153 = tpu.memref_slice %arg8[%dma_start3A_147, %dma_start3A_151, %dma_start3A_152] : memref<4x88x128xf32, #tpu.memory_space<vmem>> -> memref<1x88x128xf32, #tpu.memory_space<vmem>>
      %dma_start3A_154 = tpu.memref_squeeze %dma_start3A_153 : memref<1x88x128xf32, #tpu.memory_space<vmem>> -> memref<88x128xf32, #tpu.memory_space<vmem>>
      %dma_start3A_155 = arith.constant 0 : i32
      %dma_start3A_156 = tpu.memref_slice %arg7[%dma_start3A_148, %dma_start3A_149, %dma_start3A_150, %dma_start3A_155] : memref<2x6x2x88xi32, #tpu.memory_space<vmem>> -> memref<1x1x1x88xi32, #tpu.memory_space<vmem>>
      %dma_start3A_157 = tpu.memref_squeeze %dma_start3A_156 : memref<1x1x1x88xi32, #tpu.memory_space<vmem>> -> memref<88xi32, #tpu.memory_space<vmem>>
      %dma_start3A_158 = arith.constant 0 : i32
      %dma_start3A_159 = arith.constant 0 : i32
      %dma_start3A_160 = tpu.memref_slice %arg6[%dma_start3A_158, %dma_start3A_159] : memref<10112x128xf32, #tpu.memory_space<vmem_shared>> -> memref<10112x128xf32, #tpu.memory_space<vmem_shared>>
      tpu.enqueue_indirect_dma source(%dma_start3A_154 : memref<88x128xf32, #tpu.memory_space<vmem>>) target(%dma_start3A_160 : memref<10112x128xf32, #tpu.memory_space<vmem_shared>>) offsets(%dma_start3A_157 : memref<88xi32, #tpu.memory_space<vmem>>) semaphore(%arg15 : memref<!tpu.dma_semaphore, #tpu.memory_space<semaphore_mem>>) {add = true}
      %mul3A_161 = arith.constant 6 : i32
      %mul3A_162 = arith.muli %add3A_120, %mul3A_161 : i32
      %add3A_163 = arith.constant 1 : i32
      %add3A_164 = arith.addi %mul3A_162, %add3A_163 : i32
      %ge3A_165 = arith.constant 1 : i32
      %ge3A_166 = arith.cmpi sge, %add3A_164, %ge3A_165 : i32
      %convert_element_type3A_167 = arith.extui %ge3A_166 : i1 to i32
      %cond3A_168 = arith.constant 0 : i32
      %cond3A_169 = arith.cmpi ne, %convert_element_type3A_167, %cond3A_168 : i32
      scf.if %cond3A_169 {
        %dma_wait3A_677 = arith.constant 0 : i32
        %dma_wait3A_678 = arith.constant 0 : i32
        %dma_wait3A_679 = arith.constant 0 : i32
        %dma_wait3A_680 = arith.constant 1 : i32
        %dma_wait3A_681 = arith.constant 0 : i32
        %dma_wait3A_682 = arith.constant 0 : i32
        %dma_wait3A_683 = tpu.memref_slice %arg8[%dma_wait3A_677, %dma_wait3A_681, %dma_wait3A_682] : memref<4x88x128xf32, #tpu.memory_space<vmem>> -> memref<1x88x128xf32, #tpu.memory_space<vmem>>
        %dma_wait3A_684 = tpu.memref_squeeze %dma_wait3A_683 : memref<1x88x128xf32, #tpu.memory_space<vmem>> -> memref<88x128xf32, #tpu.memory_space<vmem>>
        %dma_wait3A_685 = arith.constant 0 : i32
        %dma_wait3A_686 = tpu.memref_slice %arg7[%dma_wait3A_678, %dma_wait3A_679, %dma_wait3A_680, %dma_wait3A_685] : memref<2x6x2x88xi32, #tpu.memory_space<vmem>> -> memref<1x1x1x88xi32, #tpu.memory_space<vmem>>
        %dma_wait3A_687 = tpu.memref_squeeze %dma_wait3A_686 : memref<1x1x1x88xi32, #tpu.memory_space<vmem>> -> memref<88xi32, #tpu.memory_space<vmem>>
        %dma_wait3A_688 = arith.constant 0 : i32
        %dma_wait3A_689 = arith.constant 0 : i32
        %dma_wait3A_690 = tpu.memref_slice %arg6[%dma_wait3A_688, %dma_wait3A_689] : memref<10112x128xf32, #tpu.memory_space<vmem_shared>> -> memref<10112x128xf32, #tpu.memory_space<vmem_shared>>
        tpu.wait_indirect_dma semaphore(%arg15 : memref<!tpu.dma_semaphore, #tpu.memory_space<semaphore_mem>>) src(%dma_wait3A_684 : memref<88x128xf32, #tpu.memory_space<vmem>>) dst(%dma_wait3A_690 : memref<10112x128xf32, #tpu.memory_space<vmem_shared>>)
      } else {
      }
      %add3A_170 = arith.constant 1 : i32
      %add3A_171 = arith.addi %add3A_120, %add3A_170 : i32
      %lt3A_172 = arith.constant 38 : i32
      %lt3A_173 = arith.cmpi slt, %add3A_171, %lt3A_172 : i32
      %convert_element_type3A_174 = arith.extui %lt3A_173 : i1 to i32
      %cond3A_175 = arith.constant 0 : i32
      %cond3A_176 = arith.cmpi ne, %convert_element_type3A_174, %cond3A_175 : i32
      scf.if %cond3A_176 {
        %add3A_677 = arith.constant 1 : i32
        %add3A_678 = arith.addi %add3A_120, %add3A_677 : i32
        %dma_start3A_679 = arith.constant 1 : i32
        %dma_start3A_680 = arith.constant 0 : i32
        %dma_start3A_681 = arith.constant 0 : i32
        %dma_start3A_682 = arith.constant 0 : i32
        %dma_start3A_683 = tpu.memref_slice %arg7[%dma_start3A_679, %dma_start3A_680, %dma_start3A_681, %dma_start3A_682] : memref<2x6x2x88xi32, #tpu.memory_space<vmem>> -> memref<1x6x2x88xi32, #tpu.memory_space<vmem>>
        %dma_start3A_684 = tpu.memref_squeeze %dma_start3A_683 : memref<1x6x2x88xi32, #tpu.memory_space<vmem>> -> memref<6x2x88xi32, #tpu.memory_space<vmem>>
        %dma_start3A_685 = arith.constant 0 : i32
        %dma_start3A_686 = arith.constant 0 : i32
        %dma_start3A_687 = arith.constant 0 : i32
        %dma_start3A_688 = tpu.memref_slice %arg3[%arg0, %arg1, %add3A_678, %dma_start3A_685, %dma_start3A_686, %dma_start3A_687] : memref<2x16x38x6x2x88xi32, #tpu.memory_space<hbm>> -> memref<1x1x1x6x2x88xi32, #tpu.memory_space<hbm>>
        %dma_start3A_689 = tpu.memref_squeeze %dma_start3A_688 : memref<1x1x1x6x2x88xi32, #tpu.memory_space<hbm>> -> memref<6x2x88xi32, #tpu.memory_space<hbm>>
        %dma_start3A_690 = arith.constant 0 : i32
        %dma_start3A_691 = arith.constant 0 : i32
        %dma_start3A_692 = arith.constant 0 : i32
        %dma_start3A_693 = tpu.memref_slice %arg7[%dma_start3A_679, %dma_start3A_690, %dma_start3A_691, %dma_start3A_692] : memref<2x6x2x88xi32, #tpu.memory_space<vmem>> -> memref<1x6x2x88xi32, #tpu.memory_space<vmem>>
        %dma_start3A_694 = tpu.memref_squeeze %dma_start3A_693 : memref<1x6x2x88xi32, #tpu.memory_space<vmem>> -> memref<6x2x88xi32, #tpu.memory_space<vmem>>
        %dma_start3A_695 = arith.constant 0 : i32
        %dma_start3A_696 = arith.constant 0 : i32
        %dma_start3A_697 = arith.constant 0 : i32
        %dma_start3A_698 = tpu.memref_slice %arg3[%arg0, %arg1, %add3A_678, %dma_start3A_695, %dma_start3A_696, %dma_start3A_697] : memref<2x16x38x6x2x88xi32, #tpu.memory_space<hbm>> -> memref<1x1x1x6x2x88xi32, #tpu.memory_space<hbm>>
        %dma_start3A_699 = tpu.memref_squeeze %dma_start3A_698 : memref<1x1x1x6x2x88xi32, #tpu.memory_space<hbm>> -> memref<6x2x88xi32, #tpu.memory_space<hbm>>
        tpu.enqueue_dma source(%dma_start3A_699 : memref<6x2x88xi32, #tpu.memory_space<hbm>>) target(%dma_start3A_694 : memref<6x2x88xi32, #tpu.memory_space<vmem>>) target_semaphore(%arg10 : memref<!tpu.dma_semaphore, #tpu.memory_space<semaphore_mem>>)
      } else {
      }
      %add3A_177 = arith.constant 3 : i32
      %add3A_178 = arith.addi %add3A_164, %add3A_177 : i32
      %lt3A_179 = arith.constant 228 : i32
      %lt3A_180 = arith.cmpi slt, %add3A_178, %lt3A_179 : i32
      %convert_element_type3A_181 = arith.extui %lt3A_180 : i1 to i32
      %cond3A_182 = arith.constant 0 : i32
      %cond3A_183 = arith.cmpi ne, %convert_element_type3A_181, %cond3A_182 : i32
      scf.if %cond3A_183 {
        %dma_start3A_677 = arith.constant 0 : i32
        %dma_start3A_678 = arith.constant 4 : i32
        %dma_start3A_679 = arith.constant 0 : i32
        %dma_start3A_680 = arith.constant 0 : i32
        %dma_start3A_681 = arith.constant 0 : i32
        %dma_start3A_682 = arith.constant 0 : i32
        %dma_start3A_683 = tpu.memref_slice %arg8[%dma_start3A_680, %dma_start3A_681, %dma_start3A_682] : memref<4x88x128xf32, #tpu.memory_space<vmem>> -> memref<1x88x128xf32, #tpu.memory_space<vmem>>
        %dma_start3A_684 = tpu.memref_squeeze %dma_start3A_683 : memref<1x88x128xf32, #tpu.memory_space<vmem>> -> memref<88x128xf32, #tpu.memory_space<vmem>>
        %dma_start3A_685 = arith.constant 0 : i32
        %dma_start3A_686 = tpu.memref_slice %arg7[%dma_start3A_677, %dma_start3A_678, %dma_start3A_679, %dma_start3A_685] : memref<2x6x2x88xi32, #tpu.memory_space<vmem>> -> memref<1x1x1x88xi32, #tpu.memory_space<vmem>>
        %dma_start3A_687 = tpu.memref_squeeze %dma_start3A_686 : memref<1x1x1x88xi32, #tpu.memory_space<vmem>> -> memref<88xi32, #tpu.memory_space<vmem>>
        %dma_start3A_688 = arith.constant 0 : i32
        %dma_start3A_689 = arith.constant 0 : i32
        %dma_start3A_690 = tpu.memref_slice %arg2[%dma_start3A_688, %dma_start3A_689] : memref<20224x128xf32, #tpu.memory_space<hbm>> -> memref<20224x128xf32, #tpu.memory_space<hbm>>
        tpu.enqueue_indirect_dma source(%dma_start3A_690 : memref<20224x128xf32, #tpu.memory_space<hbm>>) target(%dma_start3A_684 : memref<88x128xf32, #tpu.memory_space<vmem>>) offsets(%dma_start3A_687 : memref<88xi32, #tpu.memory_space<vmem>>) semaphore(%arg11 : memref<!tpu.dma_semaphore, #tpu.memory_space<semaphore_mem>>)
      } else {
      }
      %dma_wait3A_184 = arith.constant 0 : i32
      %dma_wait3A_185 = arith.constant 0 : i32
      %dma_wait3A_186 = arith.constant 0 : i32
      %dma_wait3A_187 = arith.constant 1 : i32
      %dma_wait3A_188 = arith.constant 0 : i32
      %dma_wait3A_189 = arith.constant 0 : i32
      %dma_wait3A_190 = tpu.memref_slice %arg8[%dma_wait3A_187, %dma_wait3A_188, %dma_wait3A_189] : memref<4x88x128xf32, #tpu.memory_space<vmem>> -> memref<1x88x128xf32, #tpu.memory_space<vmem>>
      %dma_wait3A_191 = tpu.memref_squeeze %dma_wait3A_190 : memref<1x88x128xf32, #tpu.memory_space<vmem>> -> memref<88x128xf32, #tpu.memory_space<vmem>>
      %dma_wait3A_192 = arith.constant 0 : i32
      %dma_wait3A_193 = tpu.memref_slice %arg7[%dma_wait3A_184, %dma_wait3A_185, %dma_wait3A_186, %dma_wait3A_192] : memref<2x6x2x88xi32, #tpu.memory_space<vmem>> -> memref<1x1x1x88xi32, #tpu.memory_space<vmem>>
      %dma_wait3A_194 = tpu.memref_squeeze %dma_wait3A_193 : memref<1x1x1x88xi32, #tpu.memory_space<vmem>> -> memref<88xi32, #tpu.memory_space<vmem>>
      %dma_wait3A_195 = arith.constant 0 : i32
      %dma_wait3A_196 = arith.constant 0 : i32
      %dma_wait3A_197 = tpu.memref_slice %arg2[%dma_wait3A_195, %dma_wait3A_196] : memref<20224x128xf32, #tpu.memory_space<hbm>> -> memref<20224x128xf32, #tpu.memory_space<hbm>>
      tpu.wait_indirect_dma semaphore(%arg12 : memref<!tpu.dma_semaphore, #tpu.memory_space<semaphore_mem>>) src(%dma_wait3A_197 : memref<20224x128xf32, #tpu.memory_space<hbm>>) dst(%dma_wait3A_191 : memref<88x128xf32, #tpu.memory_space<vmem>>)
      %dma_start3A_198 = arith.constant 1 : i32
      %dma_start3A_199 = arith.constant 0 : i32
      %dma_start3A_200 = arith.constant 1 : i32
      %dma_start3A_201 = arith.constant 1 : i32
      %dma_start3A_202 = arith.constant 0 : i32
      %dma_start3A_203 = arith.constant 0 : i32
      %dma_start3A_204 = tpu.memref_slice %arg8[%dma_start3A_198, %dma_start3A_202, %dma_start3A_203] : memref<4x88x128xf32, #tpu.memory_space<vmem>> -> memref<1x88x128xf32, #tpu.memory_space<vmem>>
      %dma_start3A_205 = tpu.memref_squeeze %dma_start3A_204 : memref<1x88x128xf32, #tpu.memory_space<vmem>> -> memref<88x128xf32, #tpu.memory_space<vmem>>
      %dma_start3A_206 = arith.constant 0 : i32
      %dma_start3A_207 = tpu.memref_slice %arg7[%dma_start3A_199, %dma_start3A_200, %dma_start3A_201, %dma_start3A_206] : memref<2x6x2x88xi32, #tpu.memory_space<vmem>> -> memref<1x1x1x88xi32, #tpu.memory_space<vmem>>
      %dma_start3A_208 = tpu.memref_squeeze %dma_start3A_207 : memref<1x1x1x88xi32, #tpu.memory_space<vmem>> -> memref<88xi32, #tpu.memory_space<vmem>>
      %dma_start3A_209 = arith.constant 0 : i32
      %dma_start3A_210 = arith.constant 0 : i32
      %dma_start3A_211 = tpu.memref_slice %arg6[%dma_start3A_209, %dma_start3A_210] : memref<10112x128xf32, #tpu.memory_space<vmem_shared>> -> memref<10112x128xf32, #tpu.memory_space<vmem_shared>>
      tpu.enqueue_indirect_dma source(%dma_start3A_205 : memref<88x128xf32, #tpu.memory_space<vmem>>) target(%dma_start3A_211 : memref<10112x128xf32, #tpu.memory_space<vmem_shared>>) offsets(%dma_start3A_208 : memref<88xi32, #tpu.memory_space<vmem>>) semaphore(%arg16 : memref<!tpu.dma_semaphore, #tpu.memory_space<semaphore_mem>>) {add = true}
      %mul3A_212 = arith.constant 6 : i32
      %mul3A_213 = arith.muli %add3A_120, %mul3A_212 : i32
      %add3A_214 = arith.constant 2 : i32
      %add3A_215 = arith.addi %mul3A_213, %add3A_214 : i32
      %ge3A_216 = arith.constant 1 : i32
      %ge3A_217 = arith.cmpi sge, %add3A_215, %ge3A_216 : i32
      %convert_element_type3A_218 = arith.extui %ge3A_217 : i1 to i32
      %cond3A_219 = arith.constant 0 : i32
      %cond3A_220 = arith.cmpi ne, %convert_element_type3A_218, %cond3A_219 : i32
      scf.if %cond3A_220 {
        %dma_wait3A_677 = arith.constant 1 : i32
        %dma_wait3A_678 = arith.constant 0 : i32
        %dma_wait3A_679 = arith.constant 0 : i32
        %dma_wait3A_680 = arith.constant 1 : i32
        %dma_wait3A_681 = arith.constant 0 : i32
        %dma_wait3A_682 = arith.constant 0 : i32
        %dma_wait3A_683 = tpu.memref_slice %arg8[%dma_wait3A_677, %dma_wait3A_681, %dma_wait3A_682] : memref<4x88x128xf32, #tpu.memory_space<vmem>> -> memref<1x88x128xf32, #tpu.memory_space<vmem>>
        %dma_wait3A_684 = tpu.memref_squeeze %dma_wait3A_683 : memref<1x88x128xf32, #tpu.memory_space<vmem>> -> memref<88x128xf32, #tpu.memory_space<vmem>>
        %dma_wait3A_685 = arith.constant 0 : i32
        %dma_wait3A_686 = tpu.memref_slice %arg7[%dma_wait3A_678, %dma_wait3A_679, %dma_wait3A_680, %dma_wait3A_685] : memref<2x6x2x88xi32, #tpu.memory_space<vmem>> -> memref<1x1x1x88xi32, #tpu.memory_space<vmem>>
        %dma_wait3A_687 = tpu.memref_squeeze %dma_wait3A_686 : memref<1x1x1x88xi32, #tpu.memory_space<vmem>> -> memref<88xi32, #tpu.memory_space<vmem>>
        %dma_wait3A_688 = arith.constant 0 : i32
        %dma_wait3A_689 = arith.constant 0 : i32
        %dma_wait3A_690 = tpu.memref_slice %arg6[%dma_wait3A_688, %dma_wait3A_689] : memref<10112x128xf32, #tpu.memory_space<vmem_shared>> -> memref<10112x128xf32, #tpu.memory_space<vmem_shared>>
        tpu.wait_indirect_dma semaphore(%arg16 : memref<!tpu.dma_semaphore, #tpu.memory_space<semaphore_mem>>) src(%dma_wait3A_684 : memref<88x128xf32, #tpu.memory_space<vmem>>) dst(%dma_wait3A_690 : memref<10112x128xf32, #tpu.memory_space<vmem_shared>>)
      } else {
      }
      %add3A_221 = arith.constant 3 : i32
      %add3A_222 = arith.addi %add3A_215, %add3A_221 : i32
      %lt3A_223 = arith.constant 228 : i32
      %lt3A_224 = arith.cmpi slt, %add3A_222, %lt3A_223 : i32
      %convert_element_type3A_225 = arith.extui %lt3A_224 : i1 to i32
      %cond3A_226 = arith.constant 0 : i32
      %cond3A_227 = arith.cmpi ne, %convert_element_type3A_225, %cond3A_226 : i32
      scf.if %cond3A_227 {
        %dma_start3A_677 = arith.constant 0 : i32
        %dma_start3A_678 = arith.constant 5 : i32
        %dma_start3A_679 = arith.constant 0 : i32
        %dma_start3A_680 = arith.constant 1 : i32
        %dma_start3A_681 = arith.constant 0 : i32
        %dma_start3A_682 = arith.constant 0 : i32
        %dma_start3A_683 = tpu.memref_slice %arg8[%dma_start3A_680, %dma_start3A_681, %dma_start3A_682] : memref<4x88x128xf32, #tpu.memory_space<vmem>> -> memref<1x88x128xf32, #tpu.memory_space<vmem>>
        %dma_start3A_684 = tpu.memref_squeeze %dma_start3A_683 : memref<1x88x128xf32, #tpu.memory_space<vmem>> -> memref<88x128xf32, #tpu.memory_space<vmem>>
        %dma_start3A_685 = arith.constant 0 : i32
        %dma_start3A_686 = tpu.memref_slice %arg7[%dma_start3A_677, %dma_start3A_678, %dma_start3A_679, %dma_start3A_685] : memref<2x6x2x88xi32, #tpu.memory_space<vmem>> -> memref<1x1x1x88xi32, #tpu.memory_space<vmem>>
        %dma_start3A_687 = tpu.memref_squeeze %dma_start3A_686 : memref<1x1x1x88xi32, #tpu.memory_space<vmem>> -> memref<88xi32, #tpu.memory_space<vmem>>
        %dma_start3A_688 = arith.constant 0 : i32
        %dma_start3A_689 = arith.constant 0 : i32
        %dma_start3A_690 = tpu.memref_slice %arg2[%dma_start3A_688, %dma_start3A_689] : memref<20224x128xf32, #tpu.memory_space<hbm>> -> memref<20224x128xf32, #tpu.memory_space<hbm>>
        tpu.enqueue_indirect_dma source(%dma_start3A_690 : memref<20224x128xf32, #tpu.memory_space<hbm>>) target(%dma_start3A_684 : memref<88x128xf32, #tpu.memory_space<vmem>>) offsets(%dma_start3A_687 : memref<88xi32, #tpu.memory_space<vmem>>) semaphore(%arg12 : memref<!tpu.dma_semaphore, #tpu.memory_space<semaphore_mem>>)
      } else {
      }
      %dma_wait3A_228 = arith.constant 0 : i32
      %dma_wait3A_229 = arith.constant 0 : i32
      %dma_wait3A_230 = arith.constant 0 : i32
      %dma_wait3A_231 = arith.constant 2 : i32
      %dma_wait3A_232 = arith.constant 0 : i32
      %dma_wait3A_233 = arith.constant 0 : i32
      %dma_wait3A_234 = tpu.memref_slice %arg8[%dma_wait3A_231, %dma_wait3A_232, %dma_wait3A_233] : memref<4x88x128xf32, #tpu.memory_space<vmem>> -> memref<1x88x128xf32, #tpu.memory_space<vmem>>
      %dma_wait3A_235 = tpu.memref_squeeze %dma_wait3A_234 : memref<1x88x128xf32, #tpu.memory_space<vmem>> -> memref<88x128xf32, #tpu.memory_space<vmem>>
      %dma_wait3A_236 = arith.constant 0 : i32
      %dma_wait3A_237 = tpu.memref_slice %arg7[%dma_wait3A_228, %dma_wait3A_229, %dma_wait3A_230, %dma_wait3A_236] : memref<2x6x2x88xi32, #tpu.memory_space<vmem>> -> memref<1x1x1x88xi32, #tpu.memory_space<vmem>>
      %dma_wait3A_238 = tpu.memref_squeeze %dma_wait3A_237 : memref<1x1x1x88xi32, #tpu.memory_space<vmem>> -> memref<88xi32, #tpu.memory_space<vmem>>
      %dma_wait3A_239 = arith.constant 0 : i32
      %dma_wait3A_240 = arith.constant 0 : i32
      %dma_wait3A_241 = tpu.memref_slice %arg2[%dma_wait3A_239, %dma_wait3A_240] : memref<20224x128xf32, #tpu.memory_space<hbm>> -> memref<20224x128xf32, #tpu.memory_space<hbm>>
      tpu.wait_indirect_dma semaphore(%arg13 : memref<!tpu.dma_semaphore, #tpu.memory_space<semaphore_mem>>) src(%dma_wait3A_241 : memref<20224x128xf32, #tpu.memory_space<hbm>>) dst(%dma_wait3A_235 : memref<88x128xf32, #tpu.memory_space<vmem>>)
      %dma_start3A_242 = arith.constant 2 : i32
      %dma_start3A_243 = arith.constant 0 : i32
      %dma_start3A_244 = arith.constant 2 : i32
      %dma_start3A_245 = arith.constant 1 : i32
      %dma_start3A_246 = arith.constant 0 : i32
      %dma_start3A_247 = arith.constant 0 : i32
      %dma_start3A_248 = tpu.memref_slice %arg8[%dma_start3A_242, %dma_start3A_246, %dma_start3A_247] : memref<4x88x128xf32, #tpu.memory_space<vmem>> -> memref<1x88x128xf32, #tpu.memory_space<vmem>>
      %dma_start3A_249 = tpu.memref_squeeze %dma_start3A_248 : memref<1x88x128xf32, #tpu.memory_space<vmem>> -> memref<88x128xf32, #tpu.memory_space<vmem>>
      %dma_start3A_250 = arith.constant 0 : i32
      %dma_start3A_251 = tpu.memref_slice %arg7[%dma_start3A_243, %dma_start3A_244, %dma_start3A_245, %dma_start3A_250] : memref<2x6x2x88xi32, #tpu.memory_space<vmem>> -> memref<1x1x1x88xi32, #tpu.memory_space<vmem>>
      %dma_start3A_252 = tpu.memref_squeeze %dma_start3A_251 : memref<1x1x1x88xi32, #tpu.memory_space<vmem>> -> memref<88xi32, #tpu.memory_space<vmem>>
      %dma_start3A_253 = arith.constant 0 : i32
      %dma_start3A_254 = arith.constant 0 : i32
      %dma_start3A_255 = tpu.memref_slice %arg6[%dma_start3A_253, %dma_start3A_254] : memref<10112x128xf32, #tpu.memory_space<vmem_shared>> -> memref<10112x128xf32, #tpu.memory_space<vmem_shared>>
      tpu.enqueue_indirect_dma source(%dma_start3A_249 : memref<88x128xf32, #tpu.memory_space<vmem>>) target(%dma_start3A_255 : memref<10112x128xf32, #tpu.memory_space<vmem_shared>>) offsets(%dma_start3A_252 : memref<88xi32, #tpu.memory_space<vmem>>) semaphore(%arg17 : memref<!tpu.dma_semaphore, #tpu.memory_space<semaphore_mem>>) {add = true}
      %mul3A_256 = arith.constant 6 : i32
      %mul3A_257 = arith.muli %add3A_120, %mul3A_256 : i32
      %add3A_258 = arith.constant 3 : i32
      %add3A_259 = arith.addi %mul3A_257, %add3A_258 : i32
      %ge3A_260 = arith.constant 1 : i32
      %ge3A_261 = arith.cmpi sge, %add3A_259, %ge3A_260 : i32
      %convert_element_type3A_262 = arith.extui %ge3A_261 : i1 to i32
      %cond3A_263 = arith.constant 0 : i32
      %cond3A_264 = arith.cmpi ne, %convert_element_type3A_262, %cond3A_263 : i32
      scf.if %cond3A_264 {
        %dma_wait3A_677 = arith.constant 2 : i32
        %dma_wait3A_678 = arith.constant 0 : i32
        %dma_wait3A_679 = arith.constant 0 : i32
        %dma_wait3A_680 = arith.constant 1 : i32
        %dma_wait3A_681 = arith.constant 0 : i32
        %dma_wait3A_682 = arith.constant 0 : i32
        %dma_wait3A_683 = tpu.memref_slice %arg8[%dma_wait3A_677, %dma_wait3A_681, %dma_wait3A_682] : memref<4x88x128xf32, #tpu.memory_space<vmem>> -> memref<1x88x128xf32, #tpu.memory_space<vmem>>
        %dma_wait3A_684 = tpu.memref_squeeze %dma_wait3A_683 : memref<1x88x128xf32, #tpu.memory_space<vmem>> -> memref<88x128xf32, #tpu.memory_space<vmem>>
        %dma_wait3A_685 = arith.constant 0 : i32
        %dma_wait3A_686 = tpu.memref_slice %arg7[%dma_wait3A_678, %dma_wait3A_679, %dma_wait3A_680, %dma_wait3A_685] : memref<2x6x2x88xi32, #tpu.memory_space<vmem>> -> memref<1x1x1x88xi32, #tpu.memory_space<vmem>>
        %dma_wait3A_687 = tpu.memref_squeeze %dma_wait3A_686 : memref<1x1x1x88xi32, #tpu.memory_space<vmem>> -> memref<88xi32, #tpu.memory_space<vmem>>
        %dma_wait3A_688 = arith.constant 0 : i32
        %dma_wait3A_689 = arith.constant 0 : i32
        %dma_wait3A_690 = tpu.memref_slice %arg6[%dma_wait3A_688, %dma_wait3A_689] : memref<10112x128xf32, #tpu.memory_space<vmem_shared>> -> memref<10112x128xf32, #tpu.memory_space<vmem_shared>>
        tpu.wait_indirect_dma semaphore(%arg17 : memref<!tpu.dma_semaphore, #tpu.memory_space<semaphore_mem>>) src(%dma_wait3A_684 : memref<88x128xf32, #tpu.memory_space<vmem>>) dst(%dma_wait3A_690 : memref<10112x128xf32, #tpu.memory_space<vmem_shared>>)
      } else {
      }
      %add3A_265 = arith.constant 3 : i32
      %add3A_266 = arith.addi %add3A_259, %add3A_265 : i32
      %lt3A_267 = arith.constant 228 : i32
      %lt3A_268 = arith.cmpi slt, %add3A_266, %lt3A_267 : i32
      %convert_element_type3A_269 = arith.extui %lt3A_268 : i1 to i32
      %cond3A_270 = arith.constant 0 : i32
      %cond3A_271 = arith.cmpi ne, %convert_element_type3A_269, %cond3A_270 : i32
      scf.if %cond3A_271 {
        %dma_wait3A_677 = arith.constant 0 : i32
        %dma_wait3A_678 = arith.constant 0 : i32
        %dma_wait3A_679 = arith.constant 0 : i32
        %dma_wait3A_680 = arith.constant 1 : i32
        %dma_wait3A_681 = arith.constant 0 : i32
        %dma_wait3A_682 = arith.constant 0 : i32
        %dma_wait3A_683 = arith.constant 0 : i32
        %dma_wait3A_684 = tpu.memref_slice %arg7[%dma_wait3A_680, %dma_wait3A_681, %dma_wait3A_682, %dma_wait3A_683] : memref<2x6x2x88xi32, #tpu.memory_space<vmem>> -> memref<1x6x2x88xi32, #tpu.memory_space<vmem>>
        %dma_wait3A_685 = tpu.memref_squeeze %dma_wait3A_684 : memref<1x6x2x88xi32, #tpu.memory_space<vmem>> -> memref<6x2x88xi32, #tpu.memory_space<vmem>>
        %dma_wait3A_686 = arith.constant 0 : i32
        %dma_wait3A_687 = arith.constant 0 : i32
        %dma_wait3A_688 = arith.constant 0 : i32
        %dma_wait3A_689 = tpu.memref_slice %arg3[%dma_wait3A_677, %dma_wait3A_678, %dma_wait3A_679, %dma_wait3A_686, %dma_wait3A_687, %dma_wait3A_688] : memref<2x16x38x6x2x88xi32, #tpu.memory_space<hbm>> -> memref<1x1x1x6x2x88xi32, #tpu.memory_space<hbm>>
        %dma_wait3A_690 = tpu.memref_squeeze %dma_wait3A_689 : memref<1x1x1x6x2x88xi32, #tpu.memory_space<hbm>> -> memref<6x2x88xi32, #tpu.memory_space<hbm>>
        %dma_wait3A_691 = arith.constant 0 : i32
        %dma_wait3A_692 = arith.constant 0 : i32
        %dma_wait3A_693 = arith.constant 0 : i32
        %dma_wait3A_694 = tpu.memref_slice %arg7[%dma_wait3A_680, %dma_wait3A_691, %dma_wait3A_692, %dma_wait3A_693] : memref<2x6x2x88xi32, #tpu.memory_space<vmem>> -> memref<1x6x2x88xi32, #tpu.memory_space<vmem>>
        %dma_wait3A_695 = tpu.memref_squeeze %dma_wait3A_694 : memref<1x6x2x88xi32, #tpu.memory_space<vmem>> -> memref<6x2x88xi32, #tpu.memory_space<vmem>>
        %dma_wait3A_696 = arith.constant 0 : i32
        %dma_wait3A_697 = arith.constant 0 : i32
        %dma_wait3A_698 = arith.constant 0 : i32
        %dma_wait3A_699 = tpu.memref_slice %arg3[%dma_wait3A_677, %dma_wait3A_678, %dma_wait3A_679, %dma_wait3A_696, %dma_wait3A_697, %dma_wait3A_698] : memref<2x16x38x6x2x88xi32, #tpu.memory_space<hbm>> -> memref<1x1x1x6x2x88xi32, #tpu.memory_space<hbm>>
        %dma_wait3A_700 = tpu.memref_squeeze %dma_wait3A_699 : memref<1x1x1x6x2x88xi32, #tpu.memory_space<hbm>> -> memref<6x2x88xi32, #tpu.memory_space<hbm>>
        tpu.wait_dma2 semaphore(%arg10 : memref<!tpu.dma_semaphore, #tpu.memory_space<semaphore_mem>>) src(%dma_wait3A_700 : memref<6x2x88xi32, #tpu.memory_space<hbm>>) dst(%dma_wait3A_695 : memref<6x2x88xi32, #tpu.memory_space<vmem>>)
      } else {
      }
      %add3A_272 = arith.constant 3 : i32
      %add3A_273 = arith.addi %add3A_259, %add3A_272 : i32
      %lt3A_274 = arith.constant 228 : i32
      %lt3A_275 = arith.cmpi slt, %add3A_273, %lt3A_274 : i32
      %convert_element_type3A_276 = arith.extui %lt3A_275 : i1 to i32
      %cond3A_277 = arith.constant 0 : i32
      %cond3A_278 = arith.cmpi ne, %convert_element_type3A_276, %cond3A_277 : i32
      scf.if %cond3A_278 {
        %dma_start3A_677 = arith.constant 1 : i32
        %dma_start3A_678 = arith.constant 0 : i32
        %dma_start3A_679 = arith.constant 0 : i32
        %dma_start3A_680 = arith.constant 2 : i32
        %dma_start3A_681 = arith.constant 0 : i32
        %dma_start3A_682 = arith.constant 0 : i32
        %dma_start3A_683 = tpu.memref_slice %arg8[%dma_start3A_680, %dma_start3A_681, %dma_start3A_682] : memref<4x88x128xf32, #tpu.memory_space<vmem>> -> memref<1x88x128xf32, #tpu.memory_space<vmem>>
        %dma_start3A_684 = tpu.memref_squeeze %dma_start3A_683 : memref<1x88x128xf32, #tpu.memory_space<vmem>> -> memref<88x128xf32, #tpu.memory_space<vmem>>
        %dma_start3A_685 = arith.constant 0 : i32
        %dma_start3A_686 = tpu.memref_slice %arg7[%dma_start3A_677, %dma_start3A_678, %dma_start3A_679, %dma_start3A_685] : memref<2x6x2x88xi32, #tpu.memory_space<vmem>> -> memref<1x1x1x88xi32, #tpu.memory_space<vmem>>
        %dma_start3A_687 = tpu.memref_squeeze %dma_start3A_686 : memref<1x1x1x88xi32, #tpu.memory_space<vmem>> -> memref<88xi32, #tpu.memory_space<vmem>>
        %dma_start3A_688 = arith.constant 0 : i32
        %dma_start3A_689 = arith.constant 0 : i32
        %dma_start3A_690 = tpu.memref_slice %arg2[%dma_start3A_688, %dma_start3A_689] : memref<20224x128xf32, #tpu.memory_space<hbm>> -> memref<20224x128xf32, #tpu.memory_space<hbm>>
        tpu.enqueue_indirect_dma source(%dma_start3A_690 : memref<20224x128xf32, #tpu.memory_space<hbm>>) target(%dma_start3A_684 : memref<88x128xf32, #tpu.memory_space<vmem>>) offsets(%dma_start3A_687 : memref<88xi32, #tpu.memory_space<vmem>>) semaphore(%arg13 : memref<!tpu.dma_semaphore, #tpu.memory_space<semaphore_mem>>)
      } else {
      }
      %dma_wait3A_279 = arith.constant 0 : i32
      %dma_wait3A_280 = arith.constant 0 : i32
      %dma_wait3A_281 = arith.constant 0 : i32
      %dma_wait3A_282 = arith.constant 3 : i32
      %dma_wait3A_283 = arith.constant 0 : i32
      %dma_wait3A_284 = arith.constant 0 : i32
      %dma_wait3A_285 = tpu.memref_slice %arg8[%dma_wait3A_282, %dma_wait3A_283, %dma_wait3A_284] : memref<4x88x128xf32, #tpu.memory_space<vmem>> -> memref<1x88x128xf32, #tpu.memory_space<vmem>>
      %dma_wait3A_286 = tpu.memref_squeeze %dma_wait3A_285 : memref<1x88x128xf32, #tpu.memory_space<vmem>> -> memref<88x128xf32, #tpu.memory_space<vmem>>
      %dma_wait3A_287 = arith.constant 0 : i32
      %dma_wait3A_288 = tpu.memref_slice %arg7[%dma_wait3A_279, %dma_wait3A_280, %dma_wait3A_281, %dma_wait3A_287] : memref<2x6x2x88xi32, #tpu.memory_space<vmem>> -> memref<1x1x1x88xi32, #tpu.memory_space<vmem>>
      %dma_wait3A_289 = tpu.memref_squeeze %dma_wait3A_288 : memref<1x1x1x88xi32, #tpu.memory_space<vmem>> -> memref<88xi32, #tpu.memory_space<vmem>>
      %dma_wait3A_290 = arith.constant 0 : i32
      %dma_wait3A_291 = arith.constant 0 : i32
      %dma_wait3A_292 = tpu.memref_slice %arg2[%dma_wait3A_290, %dma_wait3A_291] : memref<20224x128xf32, #tpu.memory_space<hbm>> -> memref<20224x128xf32, #tpu.memory_space<hbm>>
      tpu.wait_indirect_dma semaphore(%arg14 : memref<!tpu.dma_semaphore, #tpu.memory_space<semaphore_mem>>) src(%dma_wait3A_292 : memref<20224x128xf32, #tpu.memory_space<hbm>>) dst(%dma_wait3A_286 : memref<88x128xf32, #tpu.memory_space<vmem>>)
      %dma_start3A_293 = arith.constant 3 : i32
      %dma_start3A_294 = arith.constant 0 : i32
      %dma_start3A_295 = arith.constant 3 : i32
      %dma_start3A_296 = arith.constant 1 : i32
      %dma_start3A_297 = arith.constant 0 : i32
      %dma_start3A_298 = arith.constant 0 : i32
      %dma_start3A_299 = tpu.memref_slice %arg8[%dma_start3A_293, %dma_start3A_297, %dma_start3A_298] : memref<4x88x128xf32, #tpu.memory_space<vmem>> -> memref<1x88x128xf32, #tpu.memory_space<vmem>>
      %dma_start3A_300 = tpu.memref_squeeze %dma_start3A_299 : memref<1x88x128xf32, #tpu.memory_space<vmem>> -> memref<88x128xf32, #tpu.memory_space<vmem>>
      %dma_start3A_301 = arith.constant 0 : i32
      %dma_start3A_302 = tpu.memref_slice %arg7[%dma_start3A_294, %dma_start3A_295, %dma_start3A_296, %dma_start3A_301] : memref<2x6x2x88xi32, #tpu.memory_space<vmem>> -> memref<1x1x1x88xi32, #tpu.memory_space<vmem>>
      %dma_start3A_303 = tpu.memref_squeeze %dma_start3A_302 : memref<1x1x1x88xi32, #tpu.memory_space<vmem>> -> memref<88xi32, #tpu.memory_space<vmem>>
      %dma_start3A_304 = arith.constant 0 : i32
      %dma_start3A_305 = arith.constant 0 : i32
      %dma_start3A_306 = tpu.memref_slice %arg6[%dma_start3A_304, %dma_start3A_305] : memref<10112x128xf32, #tpu.memory_space<vmem_shared>> -> memref<10112x128xf32, #tpu.memory_space<vmem_shared>>
      tpu.enqueue_indirect_dma source(%dma_start3A_300 : memref<88x128xf32, #tpu.memory_space<vmem>>) target(%dma_start3A_306 : memref<10112x128xf32, #tpu.memory_space<vmem_shared>>) offsets(%dma_start3A_303 : memref<88xi32, #tpu.memory_space<vmem>>) semaphore(%arg18 : memref<!tpu.dma_semaphore, #tpu.memory_space<semaphore_mem>>) {add = true}
      %mul3A_307 = arith.constant 6 : i32
      %mul3A_308 = arith.muli %add3A_120, %mul3A_307 : i32
      %add3A_309 = arith.constant 4 : i32
      %add3A_310 = arith.addi %mul3A_308, %add3A_309 : i32
      %ge3A_311 = arith.constant 1 : i32
      %ge3A_312 = arith.cmpi sge, %add3A_310, %ge3A_311 : i32
      %convert_element_type3A_313 = arith.extui %ge3A_312 : i1 to i32
      %cond3A_314 = arith.constant 0 : i32
      %cond3A_315 = arith.cmpi ne, %convert_element_type3A_313, %cond3A_314 : i32
      scf.if %cond3A_315 {
        %dma_wait3A_677 = arith.constant 3 : i32
        %dma_wait3A_678 = arith.constant 0 : i32
        %dma_wait3A_679 = arith.constant 0 : i32
        %dma_wait3A_680 = arith.constant 1 : i32
        %dma_wait3A_681 = arith.constant 0 : i32
        %dma_wait3A_682 = arith.constant 0 : i32
        %dma_wait3A_683 = tpu.memref_slice %arg8[%dma_wait3A_677, %dma_wait3A_681, %dma_wait3A_682] : memref<4x88x128xf32, #tpu.memory_space<vmem>> -> memref<1x88x128xf32, #tpu.memory_space<vmem>>
        %dma_wait3A_684 = tpu.memref_squeeze %dma_wait3A_683 : memref<1x88x128xf32, #tpu.memory_space<vmem>> -> memref<88x128xf32, #tpu.memory_space<vmem>>
        %dma_wait3A_685 = arith.constant 0 : i32
        %dma_wait3A_686 = tpu.memref_slice %arg7[%dma_wait3A_678, %dma_wait3A_679, %dma_wait3A_680, %dma_wait3A_685] : memref<2x6x2x88xi32, #tpu.memory_space<vmem>> -> memref<1x1x1x88xi32, #tpu.memory_space<vmem>>
        %dma_wait3A_687 = tpu.memref_squeeze %dma_wait3A_686 : memref<1x1x1x88xi32, #tpu.memory_space<vmem>> -> memref<88xi32, #tpu.memory_space<vmem>>
        %dma_wait3A_688 = arith.constant 0 : i32
        %dma_wait3A_689 = arith.constant 0 : i32
        %dma_wait3A_690 = tpu.memref_slice %arg6[%dma_wait3A_688, %dma_wait3A_689] : memref<10112x128xf32, #tpu.memory_space<vmem_shared>> -> memref<10112x128xf32, #tpu.memory_space<vmem_shared>>
        tpu.wait_indirect_dma semaphore(%arg18 : memref<!tpu.dma_semaphore, #tpu.memory_space<semaphore_mem>>) src(%dma_wait3A_684 : memref<88x128xf32, #tpu.memory_space<vmem>>) dst(%dma_wait3A_690 : memref<10112x128xf32, #tpu.memory_space<vmem_shared>>)
      } else {
      }
      %add3A_316 = arith.constant 3 : i32
      %add3A_317 = arith.addi %add3A_310, %add3A_316 : i32
      %lt3A_318 = arith.constant 228 : i32
      %lt3A_319 = arith.cmpi slt, %add3A_317, %lt3A_318 : i32
      %convert_element_type3A_320 = arith.extui %lt3A_319 : i1 to i32
      %cond3A_321 = arith.constant 0 : i32
      %cond3A_322 = arith.cmpi ne, %convert_element_type3A_320, %cond3A_321 : i32
      scf.if %cond3A_322 {
        %dma_start3A_677 = arith.constant 1 : i32
        %dma_start3A_678 = arith.constant 1 : i32
        %dma_start3A_679 = arith.constant 0 : i32
        %dma_start3A_680 = arith.constant 3 : i32
        %dma_start3A_681 = arith.constant 0 : i32
        %dma_start3A_682 = arith.constant 0 : i32
        %dma_start3A_683 = tpu.memref_slice %arg8[%dma_start3A_680, %dma_start3A_681, %dma_start3A_682] : memref<4x88x128xf32, #tpu.memory_space<vmem>> -> memref<1x88x128xf32, #tpu.memory_space<vmem>>
        %dma_start3A_684 = tpu.memref_squeeze %dma_start3A_683 : memref<1x88x128xf32, #tpu.memory_space<vmem>> -> memref<88x128xf32, #tpu.memory_space<vmem>>
        %dma_start3A_685 = arith.constant 0 : i32
        %dma_start3A_686 = tpu.memref_slice %arg7[%dma_start3A_677, %dma_start3A_678, %dma_start3A_679, %dma_start3A_685] : memref<2x6x2x88xi32, #tpu.memory_space<vmem>> -> memref<1x1x1x88xi32, #tpu.memory_space<vmem>>
        %dma_start3A_687 = tpu.memref_squeeze %dma_start3A_686 : memref<1x1x1x88xi32, #tpu.memory_space<vmem>> -> memref<88xi32, #tpu.memory_space<vmem>>
        %dma_start3A_688 = arith.constant 0 : i32
        %dma_start3A_689 = arith.constant 0 : i32
        %dma_start3A_690 = tpu.memref_slice %arg2[%dma_start3A_688, %dma_start3A_689] : memref<20224x128xf32, #tpu.memory_space<hbm>> -> memref<20224x128xf32, #tpu.memory_space<hbm>>
        tpu.enqueue_indirect_dma source(%dma_start3A_690 : memref<20224x128xf32, #tpu.memory_space<hbm>>) target(%dma_start3A_684 : memref<88x128xf32, #tpu.memory_space<vmem>>) offsets(%dma_start3A_687 : memref<88xi32, #tpu.memory_space<vmem>>) semaphore(%arg14 : memref<!tpu.dma_semaphore, #tpu.memory_space<semaphore_mem>>)
      } else {
      }
      %dma_wait3A_323 = arith.constant 0 : i32
      %dma_wait3A_324 = arith.constant 0 : i32
      %dma_wait3A_325 = arith.constant 0 : i32
      %dma_wait3A_326 = arith.constant 0 : i32
      %dma_wait3A_327 = arith.constant 0 : i32
      %dma_wait3A_328 = arith.constant 0 : i32
      %dma_wait3A_329 = tpu.memref_slice %arg8[%dma_wait3A_326, %dma_wait3A_327, %dma_wait3A_328] : memref<4x88x128xf32, #tpu.memory_space<vmem>> -> memref<1x88x128xf32, #tpu.memory_space<vmem>>
      %dma_wait3A_330 = tpu.memref_squeeze %dma_wait3A_329 : memref<1x88x128xf32, #tpu.memory_space<vmem>> -> memref<88x128xf32, #tpu.memory_space<vmem>>
      %dma_wait3A_331 = arith.constant 0 : i32
      %dma_wait3A_332 = tpu.memref_slice %arg7[%dma_wait3A_323, %dma_wait3A_324, %dma_wait3A_325, %dma_wait3A_331] : memref<2x6x2x88xi32, #tpu.memory_space<vmem>> -> memref<1x1x1x88xi32, #tpu.memory_space<vmem>>
      %dma_wait3A_333 = tpu.memref_squeeze %dma_wait3A_332 : memref<1x1x1x88xi32, #tpu.memory_space<vmem>> -> memref<88xi32, #tpu.memory_space<vmem>>
      %dma_wait3A_334 = arith.constant 0 : i32
      %dma_wait3A_335 = arith.constant 0 : i32
      %dma_wait3A_336 = tpu.memref_slice %arg2[%dma_wait3A_334, %dma_wait3A_335] : memref<20224x128xf32, #tpu.memory_space<hbm>> -> memref<20224x128xf32, #tpu.memory_space<hbm>>
      tpu.wait_indirect_dma semaphore(%arg11 : memref<!tpu.dma_semaphore, #tpu.memory_space<semaphore_mem>>) src(%dma_wait3A_336 : memref<20224x128xf32, #tpu.memory_space<hbm>>) dst(%dma_wait3A_330 : memref<88x128xf32, #tpu.memory_space<vmem>>)
      %dma_start3A_337 = arith.constant 0 : i32
      %dma_start3A_338 = arith.constant 0 : i32
      %dma_start3A_339 = arith.constant 4 : i32
      %dma_start3A_340 = arith.constant 1 : i32
      %dma_start3A_341 = arith.constant 0 : i32
      %dma_start3A_342 = arith.constant 0 : i32
      %dma_start3A_343 = tpu.memref_slice %arg8[%dma_start3A_337, %dma_start3A_341, %dma_start3A_342] : memref<4x88x128xf32, #tpu.memory_space<vmem>> -> memref<1x88x128xf32, #tpu.memory_space<vmem>>
      %dma_start3A_344 = tpu.memref_squeeze %dma_start3A_343 : memref<1x88x128xf32, #tpu.memory_space<vmem>> -> memref<88x128xf32, #tpu.memory_space<vmem>>
      %dma_start3A_345 = arith.constant 0 : i32
      %dma_start3A_346 = tpu.memref_slice %arg7[%dma_start3A_338, %dma_start3A_339, %dma_start3A_340, %dma_start3A_345] : memref<2x6x2x88xi32, #tpu.memory_space<vmem>> -> memref<1x1x1x88xi32, #tpu.memory_space<vmem>>
      %dma_start3A_347 = tpu.memref_squeeze %dma_start3A_346 : memref<1x1x1x88xi32, #tpu.memory_space<vmem>> -> memref<88xi32, #tpu.memory_space<vmem>>
      %dma_start3A_348 = arith.constant 0 : i32
      %dma_start3A_349 = arith.constant 0 : i32
      %dma_start3A_350 = tpu.memref_slice %arg6[%dma_start3A_348, %dma_start3A_349] : memref<10112x128xf32, #tpu.memory_space<vmem_shared>> -> memref<10112x128xf32, #tpu.memory_space<vmem_shared>>
      tpu.enqueue_indirect_dma source(%dma_start3A_344 : memref<88x128xf32, #tpu.memory_space<vmem>>) target(%dma_start3A_350 : memref<10112x128xf32, #tpu.memory_space<vmem_shared>>) offsets(%dma_start3A_347 : memref<88xi32, #tpu.memory_space<vmem>>) semaphore(%arg15 : memref<!tpu.dma_semaphore, #tpu.memory_space<semaphore_mem>>) {add = true}
      %mul3A_351 = arith.constant 6 : i32
      %mul3A_352 = arith.muli %add3A_120, %mul3A_351 : i32
      %add3A_353 = arith.constant 5 : i32
      %add3A_354 = arith.addi %mul3A_352, %add3A_353 : i32
      %ge3A_355 = arith.constant 1 : i32
      %ge3A_356 = arith.cmpi sge, %add3A_354, %ge3A_355 : i32
      %convert_element_type3A_357 = arith.extui %ge3A_356 : i1 to i32
      %cond3A_358 = arith.constant 0 : i32
      %cond3A_359 = arith.cmpi ne, %convert_element_type3A_357, %cond3A_358 : i32
      scf.if %cond3A_359 {
        %dma_wait3A_677 = arith.constant 0 : i32
        %dma_wait3A_678 = arith.constant 0 : i32
        %dma_wait3A_679 = arith.constant 0 : i32
        %dma_wait3A_680 = arith.constant 1 : i32
        %dma_wait3A_681 = arith.constant 0 : i32
        %dma_wait3A_682 = arith.constant 0 : i32
        %dma_wait3A_683 = tpu.memref_slice %arg8[%dma_wait3A_677, %dma_wait3A_681, %dma_wait3A_682] : memref<4x88x128xf32, #tpu.memory_space<vmem>> -> memref<1x88x128xf32, #tpu.memory_space<vmem>>
        %dma_wait3A_684 = tpu.memref_squeeze %dma_wait3A_683 : memref<1x88x128xf32, #tpu.memory_space<vmem>> -> memref<88x128xf32, #tpu.memory_space<vmem>>
        %dma_wait3A_685 = arith.constant 0 : i32
        %dma_wait3A_686 = tpu.memref_slice %arg7[%dma_wait3A_678, %dma_wait3A_679, %dma_wait3A_680, %dma_wait3A_685] : memref<2x6x2x88xi32, #tpu.memory_space<vmem>> -> memref<1x1x1x88xi32, #tpu.memory_space<vmem>>
        %dma_wait3A_687 = tpu.memref_squeeze %dma_wait3A_686 : memref<1x1x1x88xi32, #tpu.memory_space<vmem>> -> memref<88xi32, #tpu.memory_space<vmem>>
        %dma_wait3A_688 = arith.constant 0 : i32
        %dma_wait3A_689 = arith.constant 0 : i32
        %dma_wait3A_690 = tpu.memref_slice %arg6[%dma_wait3A_688, %dma_wait3A_689] : memref<10112x128xf32, #tpu.memory_space<vmem_shared>> -> memref<10112x128xf32, #tpu.memory_space<vmem_shared>>
        tpu.wait_indirect_dma semaphore(%arg15 : memref<!tpu.dma_semaphore, #tpu.memory_space<semaphore_mem>>) src(%dma_wait3A_684 : memref<88x128xf32, #tpu.memory_space<vmem>>) dst(%dma_wait3A_690 : memref<10112x128xf32, #tpu.memory_space<vmem_shared>>)
      } else {
      }
      %add3A_360 = arith.constant 3 : i32
      %add3A_361 = arith.addi %add3A_354, %add3A_360 : i32
      %lt3A_362 = arith.constant 228 : i32
      %lt3A_363 = arith.cmpi slt, %add3A_361, %lt3A_362 : i32
      %convert_element_type3A_364 = arith.extui %lt3A_363 : i1 to i32
      %cond3A_365 = arith.constant 0 : i32
      %cond3A_366 = arith.cmpi ne, %convert_element_type3A_364, %cond3A_365 : i32
      scf.if %cond3A_366 {
        %dma_start3A_677 = arith.constant 1 : i32
        %dma_start3A_678 = arith.constant 2 : i32
        %dma_start3A_679 = arith.constant 0 : i32
        %dma_start3A_680 = arith.constant 0 : i32
        %dma_start3A_681 = arith.constant 0 : i32
        %dma_start3A_682 = arith.constant 0 : i32
        %dma_start3A_683 = tpu.memref_slice %arg8[%dma_start3A_680, %dma_start3A_681, %dma_start3A_682] : memref<4x88x128xf32, #tpu.memory_space<vmem>> -> memref<1x88x128xf32, #tpu.memory_space<vmem>>
        %dma_start3A_684 = tpu.memref_squeeze %dma_start3A_683 : memref<1x88x128xf32, #tpu.memory_space<vmem>> -> memref<88x128xf32, #tpu.memory_space<vmem>>
        %dma_start3A_685 = arith.constant 0 : i32
        %dma_start3A_686 = tpu.memref_slice %arg7[%dma_start3A_677, %dma_start3A_678, %dma_start3A_679, %dma_start3A_685] : memref<2x6x2x88xi32, #tpu.memory_space<vmem>> -> memref<1x1x1x88xi32, #tpu.memory_space<vmem>>
        %dma_start3A_687 = tpu.memref_squeeze %dma_start3A_686 : memref<1x1x1x88xi32, #tpu.memory_space<vmem>> -> memref<88xi32, #tpu.memory_space<vmem>>
        %dma_start3A_688 = arith.constant 0 : i32
        %dma_start3A_689 = arith.constant 0 : i32
        %dma_start3A_690 = tpu.memref_slice %arg2[%dma_start3A_688, %dma_start3A_689] : memref<20224x128xf32, #tpu.memory_space<hbm>> -> memref<20224x128xf32, #tpu.memory_space<hbm>>
        tpu.enqueue_indirect_dma source(%dma_start3A_690 : memref<20224x128xf32, #tpu.memory_space<hbm>>) target(%dma_start3A_684 : memref<88x128xf32, #tpu.memory_space<vmem>>) offsets(%dma_start3A_687 : memref<88xi32, #tpu.memory_space<vmem>>) semaphore(%arg11 : memref<!tpu.dma_semaphore, #tpu.memory_space<semaphore_mem>>)
      } else {
      }
      %dma_wait3A_367 = arith.constant 0 : i32
      %dma_wait3A_368 = arith.constant 0 : i32
      %dma_wait3A_369 = arith.constant 0 : i32
      %dma_wait3A_370 = arith.constant 1 : i32
      %dma_wait3A_371 = arith.constant 0 : i32
      %dma_wait3A_372 = arith.constant 0 : i32
      %dma_wait3A_373 = tpu.memref_slice %arg8[%dma_wait3A_370, %dma_wait3A_371, %dma_wait3A_372] : memref<4x88x128xf32, #tpu.memory_space<vmem>> -> memref<1x88x128xf32, #tpu.memory_space<vmem>>
      %dma_wait3A_374 = tpu.memref_squeeze %dma_wait3A_373 : memref<1x88x128xf32, #tpu.memory_space<vmem>> -> memref<88x128xf32, #tpu.memory_space<vmem>>
      %dma_wait3A_375 = arith.constant 0 : i32
      %dma_wait3A_376 = tpu.memref_slice %arg7[%dma_wait3A_367, %dma_wait3A_368, %dma_wait3A_369, %dma_wait3A_375] : memref<2x6x2x88xi32, #tpu.memory_space<vmem>> -> memref<1x1x1x88xi32, #tpu.memory_space<vmem>>
      %dma_wait3A_377 = tpu.memref_squeeze %dma_wait3A_376 : memref<1x1x1x88xi32, #tpu.memory_space<vmem>> -> memref<88xi32, #tpu.memory_space<vmem>>
      %dma_wait3A_378 = arith.constant 0 : i32
      %dma_wait3A_379 = arith.constant 0 : i32
      %dma_wait3A_380 = tpu.memref_slice %arg2[%dma_wait3A_378, %dma_wait3A_379] : memref<20224x128xf32, #tpu.memory_space<hbm>> -> memref<20224x128xf32, #tpu.memory_space<hbm>>
      tpu.wait_indirect_dma semaphore(%arg12 : memref<!tpu.dma_semaphore, #tpu.memory_space<semaphore_mem>>) src(%dma_wait3A_380 : memref<20224x128xf32, #tpu.memory_space<hbm>>) dst(%dma_wait3A_374 : memref<88x128xf32, #tpu.memory_space<vmem>>)
      %dma_start3A_381 = arith.constant 1 : i32
      %dma_start3A_382 = arith.constant 0 : i32
      %dma_start3A_383 = arith.constant 5 : i32
      %dma_start3A_384 = arith.constant 1 : i32
      %dma_start3A_385 = arith.constant 0 : i32
      %dma_start3A_386 = arith.constant 0 : i32
      %dma_start3A_387 = tpu.memref_slice %arg8[%dma_start3A_381, %dma_start3A_385, %dma_start3A_386] : memref<4x88x128xf32, #tpu.memory_space<vmem>> -> memref<1x88x128xf32, #tpu.memory_space<vmem>>
      %dma_start3A_388 = tpu.memref_squeeze %dma_start3A_387 : memref<1x88x128xf32, #tpu.memory_space<vmem>> -> memref<88x128xf32, #tpu.memory_space<vmem>>
      %dma_start3A_389 = arith.constant 0 : i32
      %dma_start3A_390 = tpu.memref_slice %arg7[%dma_start3A_382, %dma_start3A_383, %dma_start3A_384, %dma_start3A_389] : memref<2x6x2x88xi32, #tpu.memory_space<vmem>> -> memref<1x1x1x88xi32, #tpu.memory_space<vmem>>
      %dma_start3A_391 = tpu.memref_squeeze %dma_start3A_390 : memref<1x1x1x88xi32, #tpu.memory_space<vmem>> -> memref<88xi32, #tpu.memory_space<vmem>>
      %dma_start3A_392 = arith.constant 0 : i32
      %dma_start3A_393 = arith.constant 0 : i32
      %dma_start3A_394 = tpu.memref_slice %arg6[%dma_start3A_392, %dma_start3A_393] : memref<10112x128xf32, #tpu.memory_space<vmem_shared>> -> memref<10112x128xf32, #tpu.memory_space<vmem_shared>>
      tpu.enqueue_indirect_dma source(%dma_start3A_388 : memref<88x128xf32, #tpu.memory_space<vmem>>) target(%dma_start3A_394 : memref<10112x128xf32, #tpu.memory_space<vmem_shared>>) offsets(%dma_start3A_391 : memref<88xi32, #tpu.memory_space<vmem>>) semaphore(%arg16 : memref<!tpu.dma_semaphore, #tpu.memory_space<semaphore_mem>>) {add = true}
      %mul3A_395 = arith.constant 2 : i32
      %mul3A_396 = arith.muli %add3A_116, %mul3A_395 : i32
      %add3A_397 = arith.constant 1 : i32
      %add3A_398 = arith.addi %mul3A_396, %add3A_397 : i32
      %mul3A_399 = arith.constant 6 : i32
      %mul3A_400 = arith.muli %add3A_398, %mul3A_399 : i32
      %add3A_401 = arith.constant 0 : i32
      %add3A_402 = arith.addi %mul3A_400, %add3A_401 : i32
      %ge3A_403 = arith.constant 1 : i32
      %ge3A_404 = arith.cmpi sge, %add3A_402, %ge3A_403 : i32
      %convert_element_type3A_405 = arith.extui %ge3A_404 : i1 to i32
      %cond3A_406 = arith.constant 0 : i32
      %cond3A_407 = arith.cmpi ne, %convert_element_type3A_405, %cond3A_406 : i32
      scf.if %cond3A_407 {
        %dma_wait3A_677 = arith.constant 1 : i32
        %dma_wait3A_678 = arith.constant 0 : i32
        %dma_wait3A_679 = arith.constant 0 : i32
        %dma_wait3A_680 = arith.constant 1 : i32
        %dma_wait3A_681 = arith.constant 0 : i32
        %dma_wait3A_682 = arith.constant 0 : i32
        %dma_wait3A_683 = tpu.memref_slice %arg8[%dma_wait3A_677, %dma_wait3A_681, %dma_wait3A_682] : memref<4x88x128xf32, #tpu.memory_space<vmem>> -> memref<1x88x128xf32, #tpu.memory_space<vmem>>
        %dma_wait3A_684 = tpu.memref_squeeze %dma_wait3A_683 : memref<1x88x128xf32, #tpu.memory_space<vmem>> -> memref<88x128xf32, #tpu.memory_space<vmem>>
        %dma_wait3A_685 = arith.constant 0 : i32
        %dma_wait3A_686 = tpu.memref_slice %arg7[%dma_wait3A_678, %dma_wait3A_679, %dma_wait3A_680, %dma_wait3A_685] : memref<2x6x2x88xi32, #tpu.memory_space<vmem>> -> memref<1x1x1x88xi32, #tpu.memory_space<vmem>>
        %dma_wait3A_687 = tpu.memref_squeeze %dma_wait3A_686 : memref<1x1x1x88xi32, #tpu.memory_space<vmem>> -> memref<88xi32, #tpu.memory_space<vmem>>
        %dma_wait3A_688 = arith.constant 0 : i32
        %dma_wait3A_689 = arith.constant 0 : i32
        %dma_wait3A_690 = tpu.memref_slice %arg6[%dma_wait3A_688, %dma_wait3A_689] : memref<10112x128xf32, #tpu.memory_space<vmem_shared>> -> memref<10112x128xf32, #tpu.memory_space<vmem_shared>>
        tpu.wait_indirect_dma semaphore(%arg16 : memref<!tpu.dma_semaphore, #tpu.memory_space<semaphore_mem>>) src(%dma_wait3A_684 : memref<88x128xf32, #tpu.memory_space<vmem>>) dst(%dma_wait3A_690 : memref<10112x128xf32, #tpu.memory_space<vmem_shared>>)
      } else {
      }
      %add3A_408 = arith.constant 3 : i32
      %add3A_409 = arith.addi %add3A_402, %add3A_408 : i32
      %lt3A_410 = arith.constant 228 : i32
      %lt3A_411 = arith.cmpi slt, %add3A_409, %lt3A_410 : i32
      %convert_element_type3A_412 = arith.extui %lt3A_411 : i1 to i32
      %cond3A_413 = arith.constant 0 : i32
      %cond3A_414 = arith.cmpi ne, %convert_element_type3A_412, %cond3A_413 : i32
      scf.if %cond3A_414 {
        %dma_start3A_677 = arith.constant 1 : i32
        %dma_start3A_678 = arith.constant 3 : i32
        %dma_start3A_679 = arith.constant 0 : i32
        %dma_start3A_680 = arith.constant 1 : i32
        %dma_start3A_681 = arith.constant 0 : i32
        %dma_start3A_682 = arith.constant 0 : i32
        %dma_start3A_683 = tpu.memref_slice %arg8[%dma_start3A_680, %dma_start3A_681, %dma_start3A_682] : memref<4x88x128xf32, #tpu.memory_space<vmem>> -> memref<1x88x128xf32, #tpu.memory_space<vmem>>
        %dma_start3A_684 = tpu.memref_squeeze %dma_start3A_683 : memref<1x88x128xf32, #tpu.memory_space<vmem>> -> memref<88x128xf32, #tpu.memory_space<vmem>>
        %dma_start3A_685 = arith.constant 0 : i32
        %dma_start3A_686 = tpu.memref_slice %arg7[%dma_start3A_677, %dma_start3A_678, %dma_start3A_679, %dma_start3A_685] : memref<2x6x2x88xi32, #tpu.memory_space<vmem>> -> memref<1x1x1x88xi32, #tpu.memory_space<vmem>>
        %dma_start3A_687 = tpu.memref_squeeze %dma_start3A_686 : memref<1x1x1x88xi32, #tpu.memory_space<vmem>> -> memref<88xi32, #tpu.memory_space<vmem>>
        %dma_start3A_688 = arith.constant 0 : i32
        %dma_start3A_689 = arith.constant 0 : i32
        %dma_start3A_690 = tpu.memref_slice %arg2[%dma_start3A_688, %dma_start3A_689] : memref<20224x128xf32, #tpu.memory_space<hbm>> -> memref<20224x128xf32, #tpu.memory_space<hbm>>
        tpu.enqueue_indirect_dma source(%dma_start3A_690 : memref<20224x128xf32, #tpu.memory_space<hbm>>) target(%dma_start3A_684 : memref<88x128xf32, #tpu.memory_space<vmem>>) offsets(%dma_start3A_687 : memref<88xi32, #tpu.memory_space<vmem>>) semaphore(%arg12 : memref<!tpu.dma_semaphore, #tpu.memory_space<semaphore_mem>>)
      } else {
      }
      %dma_wait3A_415 = arith.constant 0 : i32
      %dma_wait3A_416 = arith.constant 0 : i32
      %dma_wait3A_417 = arith.constant 0 : i32
      %dma_wait3A_418 = arith.constant 2 : i32
      %dma_wait3A_419 = arith.constant 0 : i32
      %dma_wait3A_420 = arith.constant 0 : i32
      %dma_wait3A_421 = tpu.memref_slice %arg8[%dma_wait3A_418, %dma_wait3A_419, %dma_wait3A_420] : memref<4x88x128xf32, #tpu.memory_space<vmem>> -> memref<1x88x128xf32, #tpu.memory_space<vmem>>
      %dma_wait3A_422 = tpu.memref_squeeze %dma_wait3A_421 : memref<1x88x128xf32, #tpu.memory_space<vmem>> -> memref<88x128xf32, #tpu.memory_space<vmem>>
      %dma_wait3A_423 = arith.constant 0 : i32
      %dma_wait3A_424 = tpu.memref_slice %arg7[%dma_wait3A_415, %dma_wait3A_416, %dma_wait3A_417, %dma_wait3A_423] : memref<2x6x2x88xi32, #tpu.memory_space<vmem>> -> memref<1x1x1x88xi32, #tpu.memory_space<vmem>>
      %dma_wait3A_425 = tpu.memref_squeeze %dma_wait3A_424 : memref<1x1x1x88xi32, #tpu.memory_space<vmem>> -> memref<88xi32, #tpu.memory_space<vmem>>
      %dma_wait3A_426 = arith.constant 0 : i32
      %dma_wait3A_427 = arith.constant 0 : i32
      %dma_wait3A_428 = tpu.memref_slice %arg2[%dma_wait3A_426, %dma_wait3A_427] : memref<20224x128xf32, #tpu.memory_space<hbm>> -> memref<20224x128xf32, #tpu.memory_space<hbm>>
      tpu.wait_indirect_dma semaphore(%arg13 : memref<!tpu.dma_semaphore, #tpu.memory_space<semaphore_mem>>) src(%dma_wait3A_428 : memref<20224x128xf32, #tpu.memory_space<hbm>>) dst(%dma_wait3A_422 : memref<88x128xf32, #tpu.memory_space<vmem>>)
      %dma_start3A_429 = arith.constant 2 : i32
      %dma_start3A_430 = arith.constant 1 : i32
      %dma_start3A_431 = arith.constant 0 : i32
      %dma_start3A_432 = arith.constant 1 : i32
      %dma_start3A_433 = arith.constant 0 : i32
      %dma_start3A_434 = arith.constant 0 : i32
      %dma_start3A_435 = tpu.memref_slice %arg8[%dma_start3A_429, %dma_start3A_433, %dma_start3A_434] : memref<4x88x128xf32, #tpu.memory_space<vmem>> -> memref<1x88x128xf32, #tpu.memory_space<vmem>>
      %dma_start3A_436 = tpu.memref_squeeze %dma_start3A_435 : memref<1x88x128xf32, #tpu.memory_space<vmem>> -> memref<88x128xf32, #tpu.memory_space<vmem>>
      %dma_start3A_437 = arith.constant 0 : i32
      %dma_start3A_438 = tpu.memref_slice %arg7[%dma_start3A_430, %dma_start3A_431, %dma_start3A_432, %dma_start3A_437] : memref<2x6x2x88xi32, #tpu.memory_space<vmem>> -> memref<1x1x1x88xi32, #tpu.memory_space<vmem>>
      %dma_start3A_439 = tpu.memref_squeeze %dma_start3A_438 : memref<1x1x1x88xi32, #tpu.memory_space<vmem>> -> memref<88xi32, #tpu.memory_space<vmem>>
      %dma_start3A_440 = arith.constant 0 : i32
      %dma_start3A_441 = arith.constant 0 : i32
      %dma_start3A_442 = tpu.memref_slice %arg6[%dma_start3A_440, %dma_start3A_441] : memref<10112x128xf32, #tpu.memory_space<vmem_shared>> -> memref<10112x128xf32, #tpu.memory_space<vmem_shared>>
      tpu.enqueue_indirect_dma source(%dma_start3A_436 : memref<88x128xf32, #tpu.memory_space<vmem>>) target(%dma_start3A_442 : memref<10112x128xf32, #tpu.memory_space<vmem_shared>>) offsets(%dma_start3A_439 : memref<88xi32, #tpu.memory_space<vmem>>) semaphore(%arg17 : memref<!tpu.dma_semaphore, #tpu.memory_space<semaphore_mem>>) {add = true}
      %mul3A_443 = arith.constant 6 : i32
      %mul3A_444 = arith.muli %add3A_398, %mul3A_443 : i32
      %add3A_445 = arith.constant 1 : i32
      %add3A_446 = arith.addi %mul3A_444, %add3A_445 : i32
      %ge3A_447 = arith.constant 1 : i32
      %ge3A_448 = arith.cmpi sge, %add3A_446, %ge3A_447 : i32
      %convert_element_type3A_449 = arith.extui %ge3A_448 : i1 to i32
      %cond3A_450 = arith.constant 0 : i32
      %cond3A_451 = arith.cmpi ne, %convert_element_type3A_449, %cond3A_450 : i32
      scf.if %cond3A_451 {
        %dma_wait3A_677 = arith.constant 2 : i32
        %dma_wait3A_678 = arith.constant 0 : i32
        %dma_wait3A_679 = arith.constant 0 : i32
        %dma_wait3A_680 = arith.constant 1 : i32
        %dma_wait3A_681 = arith.constant 0 : i32
        %dma_wait3A_682 = arith.constant 0 : i32
        %dma_wait3A_683 = tpu.memref_slice %arg8[%dma_wait3A_677, %dma_wait3A_681, %dma_wait3A_682] : memref<4x88x128xf32, #tpu.memory_space<vmem>> -> memref<1x88x128xf32, #tpu.memory_space<vmem>>
        %dma_wait3A_684 = tpu.memref_squeeze %dma_wait3A_683 : memref<1x88x128xf32, #tpu.memory_space<vmem>> -> memref<88x128xf32, #tpu.memory_space<vmem>>
        %dma_wait3A_685 = arith.constant 0 : i32
        %dma_wait3A_686 = tpu.memref_slice %arg7[%dma_wait3A_678, %dma_wait3A_679, %dma_wait3A_680, %dma_wait3A_685] : memref<2x6x2x88xi32, #tpu.memory_space<vmem>> -> memref<1x1x1x88xi32, #tpu.memory_space<vmem>>
        %dma_wait3A_687 = tpu.memref_squeeze %dma_wait3A_686 : memref<1x1x1x88xi32, #tpu.memory_space<vmem>> -> memref<88xi32, #tpu.memory_space<vmem>>
        %dma_wait3A_688 = arith.constant 0 : i32
        %dma_wait3A_689 = arith.constant 0 : i32
        %dma_wait3A_690 = tpu.memref_slice %arg6[%dma_wait3A_688, %dma_wait3A_689] : memref<10112x128xf32, #tpu.memory_space<vmem_shared>> -> memref<10112x128xf32, #tpu.memory_space<vmem_shared>>
        tpu.wait_indirect_dma semaphore(%arg17 : memref<!tpu.dma_semaphore, #tpu.memory_space<semaphore_mem>>) src(%dma_wait3A_684 : memref<88x128xf32, #tpu.memory_space<vmem>>) dst(%dma_wait3A_690 : memref<10112x128xf32, #tpu.memory_space<vmem_shared>>)
      } else {
      }
      %add3A_452 = arith.constant 1 : i32
      %add3A_453 = arith.addi %add3A_398, %add3A_452 : i32
      %lt3A_454 = arith.constant 38 : i32
      %lt3A_455 = arith.cmpi slt, %add3A_453, %lt3A_454 : i32
      %convert_element_type3A_456 = arith.extui %lt3A_455 : i1 to i32
      %cond3A_457 = arith.constant 0 : i32
      %cond3A_458 = arith.cmpi ne, %convert_element_type3A_456, %cond3A_457 : i32
      scf.if %cond3A_458 {
        %add3A_677 = arith.constant 1 : i32
        %add3A_678 = arith.addi %add3A_398, %add3A_677 : i32
        %dma_start3A_679 = arith.constant 0 : i32
        %dma_start3A_680 = arith.constant 0 : i32
        %dma_start3A_681 = arith.constant 0 : i32
        %dma_start3A_682 = arith.constant 0 : i32
        %dma_start3A_683 = tpu.memref_slice %arg7[%dma_start3A_679, %dma_start3A_680, %dma_start3A_681, %dma_start3A_682] : memref<2x6x2x88xi32, #tpu.memory_space<vmem>> -> memref<1x6x2x88xi32, #tpu.memory_space<vmem>>
        %dma_start3A_684 = tpu.memref_squeeze %dma_start3A_683 : memref<1x6x2x88xi32, #tpu.memory_space<vmem>> -> memref<6x2x88xi32, #tpu.memory_space<vmem>>
        %dma_start3A_685 = arith.constant 0 : i32
        %dma_start3A_686 = arith.constant 0 : i32
        %dma_start3A_687 = arith.constant 0 : i32
        %dma_start3A_688 = tpu.memref_slice %arg3[%arg0, %arg1, %add3A_678, %dma_start3A_685, %dma_start3A_686, %dma_start3A_687] : memref<2x16x38x6x2x88xi32, #tpu.memory_space<hbm>> -> memref<1x1x1x6x2x88xi32, #tpu.memory_space<hbm>>
        %dma_start3A_689 = tpu.memref_squeeze %dma_start3A_688 : memref<1x1x1x6x2x88xi32, #tpu.memory_space<hbm>> -> memref<6x2x88xi32, #tpu.memory_space<hbm>>
        %dma_start3A_690 = arith.constant 0 : i32
        %dma_start3A_691 = arith.constant 0 : i32
        %dma_start3A_692 = arith.constant 0 : i32
        %dma_start3A_693 = tpu.memref_slice %arg7[%dma_start3A_679, %dma_start3A_690, %dma_start3A_691, %dma_start3A_692] : memref<2x6x2x88xi32, #tpu.memory_space<vmem>> -> memref<1x6x2x88xi32, #tpu.memory_space<vmem>>
        %dma_start3A_694 = tpu.memref_squeeze %dma_start3A_693 : memref<1x6x2x88xi32, #tpu.memory_space<vmem>> -> memref<6x2x88xi32, #tpu.memory_space<vmem>>
        %dma_start3A_695 = arith.constant 0 : i32
        %dma_start3A_696 = arith.constant 0 : i32
        %dma_start3A_697 = arith.constant 0 : i32
        %dma_start3A_698 = tpu.memref_slice %arg3[%arg0, %arg1, %add3A_678, %dma_start3A_695, %dma_start3A_696, %dma_start3A_697] : memref<2x16x38x6x2x88xi32, #tpu.memory_space<hbm>> -> memref<1x1x1x6x2x88xi32, #tpu.memory_space<hbm>>
        %dma_start3A_699 = tpu.memref_squeeze %dma_start3A_698 : memref<1x1x1x6x2x88xi32, #tpu.memory_space<hbm>> -> memref<6x2x88xi32, #tpu.memory_space<hbm>>
        tpu.enqueue_dma source(%dma_start3A_699 : memref<6x2x88xi32, #tpu.memory_space<hbm>>) target(%dma_start3A_694 : memref<6x2x88xi32, #tpu.memory_space<vmem>>) target_semaphore(%arg9 : memref<!tpu.dma_semaphore, #tpu.memory_space<semaphore_mem>>)
      } else {
      }
      %add3A_459 = arith.constant 3 : i32
      %add3A_460 = arith.addi %add3A_446, %add3A_459 : i32
      %lt3A_461 = arith.constant 228 : i32
      %lt3A_462 = arith.cmpi slt, %add3A_460, %lt3A_461 : i32
      %convert_element_type3A_463 = arith.extui %lt3A_462 : i1 to i32
      %cond3A_464 = arith.constant 0 : i32
      %cond3A_465 = arith.cmpi ne, %convert_element_type3A_463, %cond3A_464 : i32
      scf.if %cond3A_465 {
        %dma_start3A_677 = arith.constant 1 : i32
        %dma_start3A_678 = arith.constant 4 : i32
        %dma_start3A_679 = arith.constant 0 : i32
        %dma_start3A_680 = arith.constant 2 : i32
        %dma_start3A_681 = arith.constant 0 : i32
        %dma_start3A_682 = arith.constant 0 : i32
        %dma_start3A_683 = tpu.memref_slice %arg8[%dma_start3A_680, %dma_start3A_681, %dma_start3A_682] : memref<4x88x128xf32, #tpu.memory_space<vmem>> -> memref<1x88x128xf32, #tpu.memory_space<vmem>>
        %dma_start3A_684 = tpu.memref_squeeze %dma_start3A_683 : memref<1x88x128xf32, #tpu.memory_space<vmem>> -> memref<88x128xf32, #tpu.memory_space<vmem>>
        %dma_start3A_685 = arith.constant 0 : i32
        %dma_start3A_686 = tpu.memref_slice %arg7[%dma_start3A_677, %dma_start3A_678, %dma_start3A_679, %dma_start3A_685] : memref<2x6x2x88xi32, #tpu.memory_space<vmem>> -> memref<1x1x1x88xi32, #tpu.memory_space<vmem>>
        %dma_start3A_687 = tpu.memref_squeeze %dma_start3A_686 : memref<1x1x1x88xi32, #tpu.memory_space<vmem>> -> memref<88xi32, #tpu.memory_space<vmem>>
        %dma_start3A_688 = arith.constant 0 : i32
        %dma_start3A_689 = arith.constant 0 : i32
        %dma_start3A_690 = tpu.memref_slice %arg2[%dma_start3A_688, %dma_start3A_689] : memref<20224x128xf32, #tpu.memory_space<hbm>> -> memref<20224x128xf32, #tpu.memory_space<hbm>>
        tpu.enqueue_indirect_dma source(%dma_start3A_690 : memref<20224x128xf32, #tpu.memory_space<hbm>>) target(%dma_start3A_684 : memref<88x128xf32, #tpu.memory_space<vmem>>) offsets(%dma_start3A_687 : memref<88xi32, #tpu.memory_space<vmem>>) semaphore(%arg13 : memref<!tpu.dma_semaphore, #tpu.memory_space<semaphore_mem>>)
      } else {
      }
      %dma_wait3A_466 = arith.constant 0 : i32
      %dma_wait3A_467 = arith.constant 0 : i32
      %dma_wait3A_468 = arith.constant 0 : i32
      %dma_wait3A_469 = arith.constant 3 : i32
      %dma_wait3A_470 = arith.constant 0 : i32
      %dma_wait3A_471 = arith.constant 0 : i32
      %dma_wait3A_472 = tpu.memref_slice %arg8[%dma_wait3A_469, %dma_wait3A_470, %dma_wait3A_471] : memref<4x88x128xf32, #tpu.memory_space<vmem>> -> memref<1x88x128xf32, #tpu.memory_space<vmem>>
      %dma_wait3A_473 = tpu.memref_squeeze %dma_wait3A_472 : memref<1x88x128xf32, #tpu.memory_space<vmem>> -> memref<88x128xf32, #tpu.memory_space<vmem>>
      %dma_wait3A_474 = arith.constant 0 : i32
      %dma_wait3A_475 = tpu.memref_slice %arg7[%dma_wait3A_466, %dma_wait3A_467, %dma_wait3A_468, %dma_wait3A_474] : memref<2x6x2x88xi32, #tpu.memory_space<vmem>> -> memref<1x1x1x88xi32, #tpu.memory_space<vmem>>
      %dma_wait3A_476 = tpu.memref_squeeze %dma_wait3A_475 : memref<1x1x1x88xi32, #tpu.memory_space<vmem>> -> memref<88xi32, #tpu.memory_space<vmem>>
      %dma_wait3A_477 = arith.constant 0 : i32
      %dma_wait3A_478 = arith.constant 0 : i32
      %dma_wait3A_479 = tpu.memref_slice %arg2[%dma_wait3A_477, %dma_wait3A_478] : memref<20224x128xf32, #tpu.memory_space<hbm>> -> memref<20224x128xf32, #tpu.memory_space<hbm>>
      tpu.wait_indirect_dma semaphore(%arg14 : memref<!tpu.dma_semaphore, #tpu.memory_space<semaphore_mem>>) src(%dma_wait3A_479 : memref<20224x128xf32, #tpu.memory_space<hbm>>) dst(%dma_wait3A_473 : memref<88x128xf32, #tpu.memory_space<vmem>>)
      %dma_start3A_480 = arith.constant 3 : i32
      %dma_start3A_481 = arith.constant 1 : i32
      %dma_start3A_482 = arith.constant 1 : i32
      %dma_start3A_483 = arith.constant 1 : i32
      %dma_start3A_484 = arith.constant 0 : i32
      %dma_start3A_485 = arith.constant 0 : i32
      %dma_start3A_486 = tpu.memref_slice %arg8[%dma_start3A_480, %dma_start3A_484, %dma_start3A_485] : memref<4x88x128xf32, #tpu.memory_space<vmem>> -> memref<1x88x128xf32, #tpu.memory_space<vmem>>
      %dma_start3A_487 = tpu.memref_squeeze %dma_start3A_486 : memref<1x88x128xf32, #tpu.memory_space<vmem>> -> memref<88x128xf32, #tpu.memory_space<vmem>>
      %dma_start3A_488 = arith.constant 0 : i32
      %dma_start3A_489 = tpu.memref_slice %arg7[%dma_start3A_481, %dma_start3A_482, %dma_start3A_483, %dma_start3A_488] : memref<2x6x2x88xi32, #tpu.memory_space<vmem>> -> memref<1x1x1x88xi32, #tpu.memory_space<vmem>>
      %dma_start3A_490 = tpu.memref_squeeze %dma_start3A_489 : memref<1x1x1x88xi32, #tpu.memory_space<vmem>> -> memref<88xi32, #tpu.memory_space<vmem>>
      %dma_start3A_491 = arith.constant 0 : i32
      %dma_start3A_492 = arith.constant 0 : i32
      %dma_start3A_493 = tpu.memref_slice %arg6[%dma_start3A_491, %dma_start3A_492] : memref<10112x128xf32, #tpu.memory_space<vmem_shared>> -> memref<10112x128xf32, #tpu.memory_space<vmem_shared>>
      tpu.enqueue_indirect_dma source(%dma_start3A_487 : memref<88x128xf32, #tpu.memory_space<vmem>>) target(%dma_start3A_493 : memref<10112x128xf32, #tpu.memory_space<vmem_shared>>) offsets(%dma_start3A_490 : memref<88xi32, #tpu.memory_space<vmem>>) semaphore(%arg18 : memref<!tpu.dma_semaphore, #tpu.memory_space<semaphore_mem>>) {add = true}
      %mul3A_494 = arith.constant 6 : i32
      %mul3A_495 = arith.muli %add3A_398, %mul3A_494 : i32
      %add3A_496 = arith.constant 2 : i32
      %add3A_497 = arith.addi %mul3A_495, %add3A_496 : i32
      %ge3A_498 = arith.constant 1 : i32
      %ge3A_499 = arith.cmpi sge, %add3A_497, %ge3A_498 : i32
      %convert_element_type3A_500 = arith.extui %ge3A_499 : i1 to i32
      %cond3A_501 = arith.constant 0 : i32
      %cond3A_502 = arith.cmpi ne, %convert_element_type3A_500, %cond3A_501 : i32
      scf.if %cond3A_502 {
        %dma_wait3A_677 = arith.constant 3 : i32
        %dma_wait3A_678 = arith.constant 0 : i32
        %dma_wait3A_679 = arith.constant 0 : i32
        %dma_wait3A_680 = arith.constant 1 : i32
        %dma_wait3A_681 = arith.constant 0 : i32
        %dma_wait3A_682 = arith.constant 0 : i32
        %dma_wait3A_683 = tpu.memref_slice %arg8[%dma_wait3A_677, %dma_wait3A_681, %dma_wait3A_682] : memref<4x88x128xf32, #tpu.memory_space<vmem>> -> memref<1x88x128xf32, #tpu.memory_space<vmem>>
        %dma_wait3A_684 = tpu.memref_squeeze %dma_wait3A_683 : memref<1x88x128xf32, #tpu.memory_space<vmem>> -> memref<88x128xf32, #tpu.memory_space<vmem>>
        %dma_wait3A_685 = arith.constant 0 : i32
        %dma_wait3A_686 = tpu.memref_slice %arg7[%dma_wait3A_678, %dma_wait3A_679, %dma_wait3A_680, %dma_wait3A_685] : memref<2x6x2x88xi32, #tpu.memory_space<vmem>> -> memref<1x1x1x88xi32, #tpu.memory_space<vmem>>
        %dma_wait3A_687 = tpu.memref_squeeze %dma_wait3A_686 : memref<1x1x1x88xi32, #tpu.memory_space<vmem>> -> memref<88xi32, #tpu.memory_space<vmem>>
        %dma_wait3A_688 = arith.constant 0 : i32
        %dma_wait3A_689 = arith.constant 0 : i32
        %dma_wait3A_690 = tpu.memref_slice %arg6[%dma_wait3A_688, %dma_wait3A_689] : memref<10112x128xf32, #tpu.memory_space<vmem_shared>> -> memref<10112x128xf32, #tpu.memory_space<vmem_shared>>
        tpu.wait_indirect_dma semaphore(%arg18 : memref<!tpu.dma_semaphore, #tpu.memory_space<semaphore_mem>>) src(%dma_wait3A_684 : memref<88x128xf32, #tpu.memory_space<vmem>>) dst(%dma_wait3A_690 : memref<10112x128xf32, #tpu.memory_space<vmem_shared>>)
      } else {
      }
      %add3A_503 = arith.constant 3 : i32
      %add3A_504 = arith.addi %add3A_497, %add3A_503 : i32
      %lt3A_505 = arith.constant 228 : i32
      %lt3A_506 = arith.cmpi slt, %add3A_504, %lt3A_505 : i32
      %convert_element_type3A_507 = arith.extui %lt3A_506 : i1 to i32
      %cond3A_508 = arith.constant 0 : i32
      %cond3A_509 = arith.cmpi ne, %convert_element_type3A_507, %cond3A_508 : i32
      scf.if %cond3A_509 {
        %dma_start3A_677 = arith.constant 1 : i32
        %dma_start3A_678 = arith.constant 5 : i32
        %dma_start3A_679 = arith.constant 0 : i32
        %dma_start3A_680 = arith.constant 3 : i32
        %dma_start3A_681 = arith.constant 0 : i32
        %dma_start3A_682 = arith.constant 0 : i32
        %dma_start3A_683 = tpu.memref_slice %arg8[%dma_start3A_680, %dma_start3A_681, %dma_start3A_682] : memref<4x88x128xf32, #tpu.memory_space<vmem>> -> memref<1x88x128xf32, #tpu.memory_space<vmem>>
        %dma_start3A_684 = tpu.memref_squeeze %dma_start3A_683 : memref<1x88x128xf32, #tpu.memory_space<vmem>> -> memref<88x128xf32, #tpu.memory_space<vmem>>
        %dma_start3A_685 = arith.constant 0 : i32
        %dma_start3A_686 = tpu.memref_slice %arg7[%dma_start3A_677, %dma_start3A_678, %dma_start3A_679, %dma_start3A_685] : memref<2x6x2x88xi32, #tpu.memory_space<vmem>> -> memref<1x1x1x88xi32, #tpu.memory_space<vmem>>
        %dma_start3A_687 = tpu.memref_squeeze %dma_start3A_686 : memref<1x1x1x88xi32, #tpu.memory_space<vmem>> -> memref<88xi32, #tpu.memory_space<vmem>>
        %dma_start3A_688 = arith.constant 0 : i32
        %dma_start3A_689 = arith.constant 0 : i32
        %dma_start3A_690 = tpu.memref_slice %arg2[%dma_start3A_688, %dma_start3A_689] : memref<20224x128xf32, #tpu.memory_space<hbm>> -> memref<20224x128xf32, #tpu.memory_space<hbm>>
        tpu.enqueue_indirect_dma source(%dma_start3A_690 : memref<20224x128xf32, #tpu.memory_space<hbm>>) target(%dma_start3A_684 : memref<88x128xf32, #tpu.memory_space<vmem>>) offsets(%dma_start3A_687 : memref<88xi32, #tpu.memory_space<vmem>>) semaphore(%arg14 : memref<!tpu.dma_semaphore, #tpu.memory_space<semaphore_mem>>)
      } else {
      }
      %dma_wait3A_510 = arith.constant 0 : i32
      %dma_wait3A_511 = arith.constant 0 : i32
      %dma_wait3A_512 = arith.constant 0 : i32
      %dma_wait3A_513 = arith.constant 0 : i32
      %dma_wait3A_514 = arith.constant 0 : i32
      %dma_wait3A_515 = arith.constant 0 : i32
      %dma_wait3A_516 = tpu.memref_slice %arg8[%dma_wait3A_513, %dma_wait3A_514, %dma_wait3A_515] : memref<4x88x128xf32, #tpu.memory_space<vmem>> -> memref<1x88x128xf32, #tpu.memory_space<vmem>>
      %dma_wait3A_517 = tpu.memref_squeeze %dma_wait3A_516 : memref<1x88x128xf32, #tpu.memory_space<vmem>> -> memref<88x128xf32, #tpu.memory_space<vmem>>
      %dma_wait3A_518 = arith.constant 0 : i32
      %dma_wait3A_519 = tpu.memref_slice %arg7[%dma_wait3A_510, %dma_wait3A_511, %dma_wait3A_512, %dma_wait3A_518] : memref<2x6x2x88xi32, #tpu.memory_space<vmem>> -> memref<1x1x1x88xi32, #tpu.memory_space<vmem>>
      %dma_wait3A_520 = tpu.memref_squeeze %dma_wait3A_519 : memref<1x1x1x88xi32, #tpu.memory_space<vmem>> -> memref<88xi32, #tpu.memory_space<vmem>>
      %dma_wait3A_521 = arith.constant 0 : i32
      %dma_wait3A_522 = arith.constant 0 : i32
      %dma_wait3A_523 = tpu.memref_slice %arg2[%dma_wait3A_521, %dma_wait3A_522] : memref<20224x128xf32, #tpu.memory_space<hbm>> -> memref<20224x128xf32, #tpu.memory_space<hbm>>
      tpu.wait_indirect_dma semaphore(%arg11 : memref<!tpu.dma_semaphore, #tpu.memory_space<semaphore_mem>>) src(%dma_wait3A_523 : memref<20224x128xf32, #tpu.memory_space<hbm>>) dst(%dma_wait3A_517 : memref<88x128xf32, #tpu.memory_space<vmem>>)
      %dma_start3A_524 = arith.constant 0 : i32
      %dma_start3A_525 = arith.constant 1 : i32
      %dma_start3A_526 = arith.constant 2 : i32
      %dma_start3A_527 = arith.constant 1 : i32
      %dma_start3A_528 = arith.constant 0 : i32
      %dma_start3A_529 = arith.constant 0 : i32
      %dma_start3A_530 = tpu.memref_slice %arg8[%dma_start3A_524, %dma_start3A_528, %dma_start3A_529] : memref<4x88x128xf32, #tpu.memory_space<vmem>> -> memref<1x88x128xf32, #tpu.memory_space<vmem>>
      %dma_start3A_531 = tpu.memref_squeeze %dma_start3A_530 : memref<1x88x128xf32, #tpu.memory_space<vmem>> -> memref<88x128xf32, #tpu.memory_space<vmem>>
      %dma_start3A_532 = arith.constant 0 : i32
      %dma_start3A_533 = tpu.memref_slice %arg7[%dma_start3A_525, %dma_start3A_526, %dma_start3A_527, %dma_start3A_532] : memref<2x6x2x88xi32, #tpu.memory_space<vmem>> -> memref<1x1x1x88xi32, #tpu.memory_space<vmem>>
      %dma_start3A_534 = tpu.memref_squeeze %dma_start3A_533 : memref<1x1x1x88xi32, #tpu.memory_space<vmem>> -> memref<88xi32, #tpu.memory_space<vmem>>
      %dma_start3A_535 = arith.constant 0 : i32
      %dma_start3A_536 = arith.constant 0 : i32
      %dma_start3A_537 = tpu.memref_slice %arg6[%dma_start3A_535, %dma_start3A_536] : memref<10112x128xf32, #tpu.memory_space<vmem_shared>> -> memref<10112x128xf32, #tpu.memory_space<vmem_shared>>
      tpu.enqueue_indirect_dma source(%dma_start3A_531 : memref<88x128xf32, #tpu.memory_space<vmem>>) target(%dma_start3A_537 : memref<10112x128xf32, #tpu.memory_space<vmem_shared>>) offsets(%dma_start3A_534 : memref<88xi32, #tpu.memory_space<vmem>>) semaphore(%arg15 : memref<!tpu.dma_semaphore, #tpu.memory_space<semaphore_mem>>) {add = true}
      %mul3A_538 = arith.constant 6 : i32
      %mul3A_539 = arith.muli %add3A_398, %mul3A_538 : i32
      %add3A_540 = arith.constant 3 : i32
      %add3A_541 = arith.addi %mul3A_539, %add3A_540 : i32
      %ge3A_542 = arith.constant 1 : i32
      %ge3A_543 = arith.cmpi sge, %add3A_541, %ge3A_542 : i32
      %convert_element_type3A_544 = arith.extui %ge3A_543 : i1 to i32
      %cond3A_545 = arith.constant 0 : i32
      %cond3A_546 = arith.cmpi ne, %convert_element_type3A_544, %cond3A_545 : i32
      scf.if %cond3A_546 {
        %dma_wait3A_677 = arith.constant 0 : i32
        %dma_wait3A_678 = arith.constant 0 : i32
        %dma_wait3A_679 = arith.constant 0 : i32
        %dma_wait3A_680 = arith.constant 1 : i32
        %dma_wait3A_681 = arith.constant 0 : i32
        %dma_wait3A_682 = arith.constant 0 : i32
        %dma_wait3A_683 = tpu.memref_slice %arg8[%dma_wait3A_677, %dma_wait3A_681, %dma_wait3A_682] : memref<4x88x128xf32, #tpu.memory_space<vmem>> -> memref<1x88x128xf32, #tpu.memory_space<vmem>>
        %dma_wait3A_684 = tpu.memref_squeeze %dma_wait3A_683 : memref<1x88x128xf32, #tpu.memory_space<vmem>> -> memref<88x128xf32, #tpu.memory_space<vmem>>
        %dma_wait3A_685 = arith.constant 0 : i32
        %dma_wait3A_686 = tpu.memref_slice %arg7[%dma_wait3A_678, %dma_wait3A_679, %dma_wait3A_680, %dma_wait3A_685] : memref<2x6x2x88xi32, #tpu.memory_space<vmem>> -> memref<1x1x1x88xi32, #tpu.memory_space<vmem>>
        %dma_wait3A_687 = tpu.memref_squeeze %dma_wait3A_686 : memref<1x1x1x88xi32, #tpu.memory_space<vmem>> -> memref<88xi32, #tpu.memory_space<vmem>>
        %dma_wait3A_688 = arith.constant 0 : i32
        %dma_wait3A_689 = arith.constant 0 : i32
        %dma_wait3A_690 = tpu.memref_slice %arg6[%dma_wait3A_688, %dma_wait3A_689] : memref<10112x128xf32, #tpu.memory_space<vmem_shared>> -> memref<10112x128xf32, #tpu.memory_space<vmem_shared>>
        tpu.wait_indirect_dma semaphore(%arg15 : memref<!tpu.dma_semaphore, #tpu.memory_space<semaphore_mem>>) src(%dma_wait3A_684 : memref<88x128xf32, #tpu.memory_space<vmem>>) dst(%dma_wait3A_690 : memref<10112x128xf32, #tpu.memory_space<vmem_shared>>)
      } else {
      }
      %add3A_547 = arith.constant 3 : i32
      %add3A_548 = arith.addi %add3A_541, %add3A_547 : i32
      %lt3A_549 = arith.constant 228 : i32
      %lt3A_550 = arith.cmpi slt, %add3A_548, %lt3A_549 : i32
      %convert_element_type3A_551 = arith.extui %lt3A_550 : i1 to i32
      %cond3A_552 = arith.constant 0 : i32
      %cond3A_553 = arith.cmpi ne, %convert_element_type3A_551, %cond3A_552 : i32
      scf.if %cond3A_553 {
        %dma_wait3A_677 = arith.constant 0 : i32
        %dma_wait3A_678 = arith.constant 0 : i32
        %dma_wait3A_679 = arith.constant 0 : i32
        %dma_wait3A_680 = arith.constant 0 : i32
        %dma_wait3A_681 = arith.constant 0 : i32
        %dma_wait3A_682 = arith.constant 0 : i32
        %dma_wait3A_683 = arith.constant 0 : i32
        %dma_wait3A_684 = tpu.memref_slice %arg7[%dma_wait3A_680, %dma_wait3A_681, %dma_wait3A_682, %dma_wait3A_683] : memref<2x6x2x88xi32, #tpu.memory_space<vmem>> -> memref<1x6x2x88xi32, #tpu.memory_space<vmem>>
        %dma_wait3A_685 = tpu.memref_squeeze %dma_wait3A_684 : memref<1x6x2x88xi32, #tpu.memory_space<vmem>> -> memref<6x2x88xi32, #tpu.memory_space<vmem>>
        %dma_wait3A_686 = arith.constant 0 : i32
        %dma_wait3A_687 = arith.constant 0 : i32
        %dma_wait3A_688 = arith.constant 0 : i32
        %dma_wait3A_689 = tpu.memref_slice %arg3[%dma_wait3A_677, %dma_wait3A_678, %dma_wait3A_679, %dma_wait3A_686, %dma_wait3A_687, %dma_wait3A_688] : memref<2x16x38x6x2x88xi32, #tpu.memory_space<hbm>> -> memref<1x1x1x6x2x88xi32, #tpu.memory_space<hbm>>
        %dma_wait3A_690 = tpu.memref_squeeze %dma_wait3A_689 : memref<1x1x1x6x2x88xi32, #tpu.memory_space<hbm>> -> memref<6x2x88xi32, #tpu.memory_space<hbm>>
        %dma_wait3A_691 = arith.constant 0 : i32
        %dma_wait3A_692 = arith.constant 0 : i32
        %dma_wait3A_693 = arith.constant 0 : i32
        %dma_wait3A_694 = tpu.memref_slice %arg7[%dma_wait3A_680, %dma_wait3A_691, %dma_wait3A_692, %dma_wait3A_693] : memref<2x6x2x88xi32, #tpu.memory_space<vmem>> -> memref<1x6x2x88xi32, #tpu.memory_space<vmem>>
        %dma_wait3A_695 = tpu.memref_squeeze %dma_wait3A_694 : memref<1x6x2x88xi32, #tpu.memory_space<vmem>> -> memref<6x2x88xi32, #tpu.memory_space<vmem>>
        %dma_wait3A_696 = arith.constant 0 : i32
        %dma_wait3A_697 = arith.constant 0 : i32
        %dma_wait3A_698 = arith.constant 0 : i32
        %dma_wait3A_699 = tpu.memref_slice %arg3[%dma_wait3A_677, %dma_wait3A_678, %dma_wait3A_679, %dma_wait3A_696, %dma_wait3A_697, %dma_wait3A_698] : memref<2x16x38x6x2x88xi32, #tpu.memory_space<hbm>> -> memref<1x1x1x6x2x88xi32, #tpu.memory_space<hbm>>
        %dma_wait3A_700 = tpu.memref_squeeze %dma_wait3A_699 : memref<1x1x1x6x2x88xi32, #tpu.memory_space<hbm>> -> memref<6x2x88xi32, #tpu.memory_space<hbm>>
        tpu.wait_dma2 semaphore(%arg9 : memref<!tpu.dma_semaphore, #tpu.memory_space<semaphore_mem>>) src(%dma_wait3A_700 : memref<6x2x88xi32, #tpu.memory_space<hbm>>) dst(%dma_wait3A_695 : memref<6x2x88xi32, #tpu.memory_space<vmem>>)
      } else {
      }
      %add3A_554 = arith.constant 3 : i32
      %add3A_555 = arith.addi %add3A_541, %add3A_554 : i32
      %lt3A_556 = arith.constant 228 : i32
      %lt3A_557 = arith.cmpi slt, %add3A_555, %lt3A_556 : i32
      %convert_element_type3A_558 = arith.extui %lt3A_557 : i1 to i32
      %cond3A_559 = arith.constant 0 : i32
      %cond3A_560 = arith.cmpi ne, %convert_element_type3A_558, %cond3A_559 : i32
      scf.if %cond3A_560 {
        %dma_start3A_677 = arith.constant 0 : i32
        %dma_start3A_678 = arith.constant 0 : i32
        %dma_start3A_679 = arith.constant 0 : i32
        %dma_start3A_680 = arith.constant 0 : i32
        %dma_start3A_681 = arith.constant 0 : i32
        %dma_start3A_682 = arith.constant 0 : i32
        %dma_start3A_683 = tpu.memref_slice %arg8[%dma_start3A_680, %dma_start3A_681, %dma_start3A_682] : memref<4x88x128xf32, #tpu.memory_space<vmem>> -> memref<1x88x128xf32, #tpu.memory_space<vmem>>
        %dma_start3A_684 = tpu.memref_squeeze %dma_start3A_683 : memref<1x88x128xf32, #tpu.memory_space<vmem>> -> memref<88x128xf32, #tpu.memory_space<vmem>>
        %dma_start3A_685 = arith.constant 0 : i32
        %dma_start3A_686 = tpu.memref_slice %arg7[%dma_start3A_677, %dma_start3A_678, %dma_start3A_679, %dma_start3A_685] : memref<2x6x2x88xi32, #tpu.memory_space<vmem>> -> memref<1x1x1x88xi32, #tpu.memory_space<vmem>>
        %dma_start3A_687 = tpu.memref_squeeze %dma_start3A_686 : memref<1x1x1x88xi32, #tpu.memory_space<vmem>> -> memref<88xi32, #tpu.memory_space<vmem>>
        %dma_start3A_688 = arith.constant 0 : i32
        %dma_start3A_689 = arith.constant 0 : i32
        %dma_start3A_690 = tpu.memref_slice %arg2[%dma_start3A_688, %dma_start3A_689] : memref<20224x128xf32, #tpu.memory_space<hbm>> -> memref<20224x128xf32, #tpu.memory_space<hbm>>
        tpu.enqueue_indirect_dma source(%dma_start3A_690 : memref<20224x128xf32, #tpu.memory_space<hbm>>) target(%dma_start3A_684 : memref<88x128xf32, #tpu.memory_space<vmem>>) offsets(%dma_start3A_687 : memref<88xi32, #tpu.memory_space<vmem>>) semaphore(%arg11 : memref<!tpu.dma_semaphore, #tpu.memory_space<semaphore_mem>>)
      } else {
      }
      %dma_wait3A_561 = arith.constant 0 : i32
      %dma_wait3A_562 = arith.constant 0 : i32
      %dma_wait3A_563 = arith.constant 0 : i32
      %dma_wait3A_564 = arith.constant 1 : i32
      %dma_wait3A_565 = arith.constant 0 : i32
      %dma_wait3A_566 = arith.constant 0 : i32
      %dma_wait3A_567 = tpu.memref_slice %arg8[%dma_wait3A_564, %dma_wait3A_565, %dma_wait3A_566] : memref<4x88x128xf32, #tpu.memory_space<vmem>> -> memref<1x88x128xf32, #tpu.memory_space<vmem>>
      %dma_wait3A_568 = tpu.memref_squeeze %dma_wait3A_567 : memref<1x88x128xf32, #tpu.memory_space<vmem>> -> memref<88x128xf32, #tpu.memory_space<vmem>>
      %dma_wait3A_569 = arith.constant 0 : i32
      %dma_wait3A_570 = tpu.memref_slice %arg7[%dma_wait3A_561, %dma_wait3A_562, %dma_wait3A_563, %dma_wait3A_569] : memref<2x6x2x88xi32, #tpu.memory_space<vmem>> -> memref<1x1x1x88xi32, #tpu.memory_space<vmem>>
      %dma_wait3A_571 = tpu.memref_squeeze %dma_wait3A_570 : memref<1x1x1x88xi32, #tpu.memory_space<vmem>> -> memref<88xi32, #tpu.memory_space<vmem>>
      %dma_wait3A_572 = arith.constant 0 : i32
      %dma_wait3A_573 = arith.constant 0 : i32
      %dma_wait3A_574 = tpu.memref_slice %arg2[%dma_wait3A_572, %dma_wait3A_573] : memref<20224x128xf32, #tpu.memory_space<hbm>> -> memref<20224x128xf32, #tpu.memory_space<hbm>>
      tpu.wait_indirect_dma semaphore(%arg12 : memref<!tpu.dma_semaphore, #tpu.memory_space<semaphore_mem>>) src(%dma_wait3A_574 : memref<20224x128xf32, #tpu.memory_space<hbm>>) dst(%dma_wait3A_568 : memref<88x128xf32, #tpu.memory_space<vmem>>)
      %dma_start3A_575 = arith.constant 1 : i32
      %dma_start3A_576 = arith.constant 1 : i32
      %dma_start3A_577 = arith.constant 3 : i32
      %dma_start3A_578 = arith.constant 1 : i32
      %dma_start3A_579 = arith.constant 0 : i32
      %dma_start3A_580 = arith.constant 0 : i32
      %dma_start3A_581 = tpu.memref_slice %arg8[%dma_start3A_575, %dma_start3A_579, %dma_start3A_580] : memref<4x88x128xf32, #tpu.memory_space<vmem>> -> memref<1x88x128xf32, #tpu.memory_space<vmem>>
      %dma_start3A_582 = tpu.memref_squeeze %dma_start3A_581 : memref<1x88x128xf32, #tpu.memory_space<vmem>> -> memref<88x128xf32, #tpu.memory_space<vmem>>
      %dma_start3A_583 = arith.constant 0 : i32
      %dma_start3A_584 = tpu.memref_slice %arg7[%dma_start3A_576, %dma_start3A_577, %dma_start3A_578, %dma_start3A_583] : memref<2x6x2x88xi32, #tpu.memory_space<vmem>> -> memref<1x1x1x88xi32, #tpu.memory_space<vmem>>
      %dma_start3A_585 = tpu.memref_squeeze %dma_start3A_584 : memref<1x1x1x88xi32, #tpu.memory_space<vmem>> -> memref<88xi32, #tpu.memory_space<vmem>>
      %dma_start3A_586 = arith.constant 0 : i32
      %dma_start3A_587 = arith.constant 0 : i32
      %dma_start3A_588 = tpu.memref_slice %arg6[%dma_start3A_586, %dma_start3A_587] : memref<10112x128xf32, #tpu.memory_space<vmem_shared>> -> memref<10112x128xf32, #tpu.memory_space<vmem_shared>>
      tpu.enqueue_indirect_dma source(%dma_start3A_582 : memref<88x128xf32, #tpu.memory_space<vmem>>) target(%dma_start3A_588 : memref<10112x128xf32, #tpu.memory_space<vmem_shared>>) offsets(%dma_start3A_585 : memref<88xi32, #tpu.memory_space<vmem>>) semaphore(%arg16 : memref<!tpu.dma_semaphore, #tpu.memory_space<semaphore_mem>>) {add = true}
      %mul3A_589 = arith.constant 6 : i32
      %mul3A_590 = arith.muli %add3A_398, %mul3A_589 : i32
      %add3A_591 = arith.constant 4 : i32
      %add3A_592 = arith.addi %mul3A_590, %add3A_591 : i32
      %ge3A_593 = arith.constant 1 : i32
      %ge3A_594 = arith.cmpi sge, %add3A_592, %ge3A_593 : i32
      %convert_element_type3A_595 = arith.extui %ge3A_594 : i1 to i32
      %cond3A_596 = arith.constant 0 : i32
      %cond3A_597 = arith.cmpi ne, %convert_element_type3A_595, %cond3A_596 : i32
      scf.if %cond3A_597 {
        %dma_wait3A_677 = arith.constant 1 : i32
        %dma_wait3A_678 = arith.constant 0 : i32
        %dma_wait3A_679 = arith.constant 0 : i32
        %dma_wait3A_680 = arith.constant 1 : i32
        %dma_wait3A_681 = arith.constant 0 : i32
        %dma_wait3A_682 = arith.constant 0 : i32
        %dma_wait3A_683 = tpu.memref_slice %arg8[%dma_wait3A_677, %dma_wait3A_681, %dma_wait3A_682] : memref<4x88x128xf32, #tpu.memory_space<vmem>> -> memref<1x88x128xf32, #tpu.memory_space<vmem>>
        %dma_wait3A_684 = tpu.memref_squeeze %dma_wait3A_683 : memref<1x88x128xf32, #tpu.memory_space<vmem>> -> memref<88x128xf32, #tpu.memory_space<vmem>>
        %dma_wait3A_685 = arith.constant 0 : i32
        %dma_wait3A_686 = tpu.memref_slice %arg7[%dma_wait3A_678, %dma_wait3A_679, %dma_wait3A_680, %dma_wait3A_685] : memref<2x6x2x88xi32, #tpu.memory_space<vmem>> -> memref<1x1x1x88xi32, #tpu.memory_space<vmem>>
        %dma_wait3A_687 = tpu.memref_squeeze %dma_wait3A_686 : memref<1x1x1x88xi32, #tpu.memory_space<vmem>> -> memref<88xi32, #tpu.memory_space<vmem>>
        %dma_wait3A_688 = arith.constant 0 : i32
        %dma_wait3A_689 = arith.constant 0 : i32
        %dma_wait3A_690 = tpu.memref_slice %arg6[%dma_wait3A_688, %dma_wait3A_689] : memref<10112x128xf32, #tpu.memory_space<vmem_shared>> -> memref<10112x128xf32, #tpu.memory_space<vmem_shared>>
        tpu.wait_indirect_dma semaphore(%arg16 : memref<!tpu.dma_semaphore, #tpu.memory_space<semaphore_mem>>) src(%dma_wait3A_684 : memref<88x128xf32, #tpu.memory_space<vmem>>) dst(%dma_wait3A_690 : memref<10112x128xf32, #tpu.memory_space<vmem_shared>>)
      } else {
      }
      %add3A_598 = arith.constant 3 : i32
      %add3A_599 = arith.addi %add3A_592, %add3A_598 : i32
      %lt3A_600 = arith.constant 228 : i32
      %lt3A_601 = arith.cmpi slt, %add3A_599, %lt3A_600 : i32
      %convert_element_type3A_602 = arith.extui %lt3A_601 : i1 to i32
      %cond3A_603 = arith.constant 0 : i32
      %cond3A_604 = arith.cmpi ne, %convert_element_type3A_602, %cond3A_603 : i32
      scf.if %cond3A_604 {
        %dma_start3A_677 = arith.constant 0 : i32
        %dma_start3A_678 = arith.constant 1 : i32
        %dma_start3A_679 = arith.constant 0 : i32
        %dma_start3A_680 = arith.constant 1 : i32
        %dma_start3A_681 = arith.constant 0 : i32
        %dma_start3A_682 = arith.constant 0 : i32
        %dma_start3A_683 = tpu.memref_slice %arg8[%dma_start3A_680, %dma_start3A_681, %dma_start3A_682] : memref<4x88x128xf32, #tpu.memory_space<vmem>> -> memref<1x88x128xf32, #tpu.memory_space<vmem>>
        %dma_start3A_684 = tpu.memref_squeeze %dma_start3A_683 : memref<1x88x128xf32, #tpu.memory_space<vmem>> -> memref<88x128xf32, #tpu.memory_space<vmem>>
        %dma_start3A_685 = arith.constant 0 : i32
        %dma_start3A_686 = tpu.memref_slice %arg7[%dma_start3A_677, %dma_start3A_678, %dma_start3A_679, %dma_start3A_685] : memref<2x6x2x88xi32, #tpu.memory_space<vmem>> -> memref<1x1x1x88xi32, #tpu.memory_space<vmem>>
        %dma_start3A_687 = tpu.memref_squeeze %dma_start3A_686 : memref<1x1x1x88xi32, #tpu.memory_space<vmem>> -> memref<88xi32, #tpu.memory_space<vmem>>
        %dma_start3A_688 = arith.constant 0 : i32
        %dma_start3A_689 = arith.constant 0 : i32
        %dma_start3A_690 = tpu.memref_slice %arg2[%dma_start3A_688, %dma_start3A_689] : memref<20224x128xf32, #tpu.memory_space<hbm>> -> memref<20224x128xf32, #tpu.memory_space<hbm>>
        tpu.enqueue_indirect_dma source(%dma_start3A_690 : memref<20224x128xf32, #tpu.memory_space<hbm>>) target(%dma_start3A_684 : memref<88x128xf32, #tpu.memory_space<vmem>>) offsets(%dma_start3A_687 : memref<88xi32, #tpu.memory_space<vmem>>) semaphore(%arg12 : memref<!tpu.dma_semaphore, #tpu.memory_space<semaphore_mem>>)
      } else {
      }
      %dma_wait3A_605 = arith.constant 0 : i32
      %dma_wait3A_606 = arith.constant 0 : i32
      %dma_wait3A_607 = arith.constant 0 : i32
      %dma_wait3A_608 = arith.constant 2 : i32
      %dma_wait3A_609 = arith.constant 0 : i32
      %dma_wait3A_610 = arith.constant 0 : i32
      %dma_wait3A_611 = tpu.memref_slice %arg8[%dma_wait3A_608, %dma_wait3A_609, %dma_wait3A_610] : memref<4x88x128xf32, #tpu.memory_space<vmem>> -> memref<1x88x128xf32, #tpu.memory_space<vmem>>
      %dma_wait3A_612 = tpu.memref_squeeze %dma_wait3A_611 : memref<1x88x128xf32, #tpu.memory_space<vmem>> -> memref<88x128xf32, #tpu.memory_space<vmem>>
      %dma_wait3A_613 = arith.constant 0 : i32
      %dma_wait3A_614 = tpu.memref_slice %arg7[%dma_wait3A_605, %dma_wait3A_606, %dma_wait3A_607, %dma_wait3A_613] : memref<2x6x2x88xi32, #tpu.memory_space<vmem>> -> memref<1x1x1x88xi32, #tpu.memory_space<vmem>>
      %dma_wait3A_615 = tpu.memref_squeeze %dma_wait3A_614 : memref<1x1x1x88xi32, #tpu.memory_space<vmem>> -> memref<88xi32, #tpu.memory_space<vmem>>
      %dma_wait3A_616 = arith.constant 0 : i32
      %dma_wait3A_617 = arith.constant 0 : i32
      %dma_wait3A_618 = tpu.memref_slice %arg2[%dma_wait3A_616, %dma_wait3A_617] : memref<20224x128xf32, #tpu.memory_space<hbm>> -> memref<20224x128xf32, #tpu.memory_space<hbm>>
      tpu.wait_indirect_dma semaphore(%arg13 : memref<!tpu.dma_semaphore, #tpu.memory_space<semaphore_mem>>) src(%dma_wait3A_618 : memref<20224x128xf32, #tpu.memory_space<hbm>>) dst(%dma_wait3A_612 : memref<88x128xf32, #tpu.memory_space<vmem>>)
      %dma_start3A_619 = arith.constant 2 : i32
      %dma_start3A_620 = arith.constant 1 : i32
      %dma_start3A_621 = arith.constant 4 : i32
      %dma_start3A_622 = arith.constant 1 : i32
      %dma_start3A_623 = arith.constant 0 : i32
      %dma_start3A_624 = arith.constant 0 : i32
      %dma_start3A_625 = tpu.memref_slice %arg8[%dma_start3A_619, %dma_start3A_623, %dma_start3A_624] : memref<4x88x128xf32, #tpu.memory_space<vmem>> -> memref<1x88x128xf32, #tpu.memory_space<vmem>>
      %dma_start3A_626 = tpu.memref_squeeze %dma_start3A_625 : memref<1x88x128xf32, #tpu.memory_space<vmem>> -> memref<88x128xf32, #tpu.memory_space<vmem>>
      %dma_start3A_627 = arith.constant 0 : i32
      %dma_start3A_628 = tpu.memref_slice %arg7[%dma_start3A_620, %dma_start3A_621, %dma_start3A_622, %dma_start3A_627] : memref<2x6x2x88xi32, #tpu.memory_space<vmem>> -> memref<1x1x1x88xi32, #tpu.memory_space<vmem>>
      %dma_start3A_629 = tpu.memref_squeeze %dma_start3A_628 : memref<1x1x1x88xi32, #tpu.memory_space<vmem>> -> memref<88xi32, #tpu.memory_space<vmem>>
      %dma_start3A_630 = arith.constant 0 : i32
      %dma_start3A_631 = arith.constant 0 : i32
      %dma_start3A_632 = tpu.memref_slice %arg6[%dma_start3A_630, %dma_start3A_631] : memref<10112x128xf32, #tpu.memory_space<vmem_shared>> -> memref<10112x128xf32, #tpu.memory_space<vmem_shared>>
      tpu.enqueue_indirect_dma source(%dma_start3A_626 : memref<88x128xf32, #tpu.memory_space<vmem>>) target(%dma_start3A_632 : memref<10112x128xf32, #tpu.memory_space<vmem_shared>>) offsets(%dma_start3A_629 : memref<88xi32, #tpu.memory_space<vmem>>) semaphore(%arg17 : memref<!tpu.dma_semaphore, #tpu.memory_space<semaphore_mem>>) {add = true}
      %mul3A_633 = arith.constant 6 : i32
      %mul3A_634 = arith.muli %add3A_398, %mul3A_633 : i32
      %add3A_635 = arith.constant 5 : i32
      %add3A_636 = arith.addi %mul3A_634, %add3A_635 : i32
      %ge3A_637 = arith.constant 1 : i32
      %ge3A_638 = arith.cmpi sge, %add3A_636, %ge3A_637 : i32
      %convert_element_type3A_639 = arith.extui %ge3A_638 : i1 to i32
      %cond3A_640 = arith.constant 0 : i32
      %cond3A_641 = arith.cmpi ne, %convert_element_type3A_639, %cond3A_640 : i32
      scf.if %cond3A_641 {
        %dma_wait3A_677 = arith.constant 2 : i32
        %dma_wait3A_678 = arith.constant 0 : i32
        %dma_wait3A_679 = arith.constant 0 : i32
        %dma_wait3A_680 = arith.constant 1 : i32
        %dma_wait3A_681 = arith.constant 0 : i32
        %dma_wait3A_682 = arith.constant 0 : i32
        %dma_wait3A_683 = tpu.memref_slice %arg8[%dma_wait3A_677, %dma_wait3A_681, %dma_wait3A_682] : memref<4x88x128xf32, #tpu.memory_space<vmem>> -> memref<1x88x128xf32, #tpu.memory_space<vmem>>
        %dma_wait3A_684 = tpu.memref_squeeze %dma_wait3A_683 : memref<1x88x128xf32, #tpu.memory_space<vmem>> -> memref<88x128xf32, #tpu.memory_space<vmem>>
        %dma_wait3A_685 = arith.constant 0 : i32
        %dma_wait3A_686 = tpu.memref_slice %arg7[%dma_wait3A_678, %dma_wait3A_679, %dma_wait3A_680, %dma_wait3A_685] : memref<2x6x2x88xi32, #tpu.memory_space<vmem>> -> memref<1x1x1x88xi32, #tpu.memory_space<vmem>>
        %dma_wait3A_687 = tpu.memref_squeeze %dma_wait3A_686 : memref<1x1x1x88xi32, #tpu.memory_space<vmem>> -> memref<88xi32, #tpu.memory_space<vmem>>
        %dma_wait3A_688 = arith.constant 0 : i32
        %dma_wait3A_689 = arith.constant 0 : i32
        %dma_wait3A_690 = tpu.memref_slice %arg6[%dma_wait3A_688, %dma_wait3A_689] : memref<10112x128xf32, #tpu.memory_space<vmem_shared>> -> memref<10112x128xf32, #tpu.memory_space<vmem_shared>>
        tpu.wait_indirect_dma semaphore(%arg17 : memref<!tpu.dma_semaphore, #tpu.memory_space<semaphore_mem>>) src(%dma_wait3A_684 : memref<88x128xf32, #tpu.memory_space<vmem>>) dst(%dma_wait3A_690 : memref<10112x128xf32, #tpu.memory_space<vmem_shared>>)
      } else {
      }
      %add3A_642 = arith.constant 3 : i32
      %add3A_643 = arith.addi %add3A_636, %add3A_642 : i32
      %lt3A_644 = arith.constant 228 : i32
      %lt3A_645 = arith.cmpi slt, %add3A_643, %lt3A_644 : i32
      %convert_element_type3A_646 = arith.extui %lt3A_645 : i1 to i32
      %cond3A_647 = arith.constant 0 : i32
      %cond3A_648 = arith.cmpi ne, %convert_element_type3A_646, %cond3A_647 : i32
      scf.if %cond3A_648 {
        %dma_start3A_677 = arith.constant 0 : i32
        %dma_start3A_678 = arith.constant 2 : i32
        %dma_start3A_679 = arith.constant 0 : i32
        %dma_start3A_680 = arith.constant 2 : i32
        %dma_start3A_681 = arith.constant 0 : i32
        %dma_start3A_682 = arith.constant 0 : i32
        %dma_start3A_683 = tpu.memref_slice %arg8[%dma_start3A_680, %dma_start3A_681, %dma_start3A_682] : memref<4x88x128xf32, #tpu.memory_space<vmem>> -> memref<1x88x128xf32, #tpu.memory_space<vmem>>
        %dma_start3A_684 = tpu.memref_squeeze %dma_start3A_683 : memref<1x88x128xf32, #tpu.memory_space<vmem>> -> memref<88x128xf32, #tpu.memory_space<vmem>>
        %dma_start3A_685 = arith.constant 0 : i32
        %dma_start3A_686 = tpu.memref_slice %arg7[%dma_start3A_677, %dma_start3A_678, %dma_start3A_679, %dma_start3A_685] : memref<2x6x2x88xi32, #tpu.memory_space<vmem>> -> memref<1x1x1x88xi32, #tpu.memory_space<vmem>>
        %dma_start3A_687 = tpu.memref_squeeze %dma_start3A_686 : memref<1x1x1x88xi32, #tpu.memory_space<vmem>> -> memref<88xi32, #tpu.memory_space<vmem>>
        %dma_start3A_688 = arith.constant 0 : i32
        %dma_start3A_689 = arith.constant 0 : i32
        %dma_start3A_690 = tpu.memref_slice %arg2[%dma_start3A_688, %dma_start3A_689] : memref<20224x128xf32, #tpu.memory_space<hbm>> -> memref<20224x128xf32, #tpu.memory_space<hbm>>
        tpu.enqueue_indirect_dma source(%dma_start3A_690 : memref<20224x128xf32, #tpu.memory_space<hbm>>) target(%dma_start3A_684 : memref<88x128xf32, #tpu.memory_space<vmem>>) offsets(%dma_start3A_687 : memref<88xi32, #tpu.memory_space<vmem>>) semaphore(%arg13 : memref<!tpu.dma_semaphore, #tpu.memory_space<semaphore_mem>>)
      } else {
      }
      %dma_wait3A_649 = arith.constant 0 : i32
      %dma_wait3A_650 = arith.constant 0 : i32
      %dma_wait3A_651 = arith.constant 0 : i32
      %dma_wait3A_652 = arith.constant 3 : i32
      %dma_wait3A_653 = arith.constant 0 : i32
      %dma_wait3A_654 = arith.constant 0 : i32
      %dma_wait3A_655 = tpu.memref_slice %arg8[%dma_wait3A_652, %dma_wait3A_653, %dma_wait3A_654] : memref<4x88x128xf32, #tpu.memory_space<vmem>> -> memref<1x88x128xf32, #tpu.memory_space<vmem>>
      %dma_wait3A_656 = tpu.memref_squeeze %dma_wait3A_655 : memref<1x88x128xf32, #tpu.memory_space<vmem>> -> memref<88x128xf32, #tpu.memory_space<vmem>>
      %dma_wait3A_657 = arith.constant 0 : i32
      %dma_wait3A_658 = tpu.memref_slice %arg7[%dma_wait3A_649, %dma_wait3A_650, %dma_wait3A_651, %dma_wait3A_657] : memref<2x6x2x88xi32, #tpu.memory_space<vmem>> -> memref<1x1x1x88xi32, #tpu.memory_space<vmem>>
      %dma_wait3A_659 = tpu.memref_squeeze %dma_wait3A_658 : memref<1x1x1x88xi32, #tpu.memory_space<vmem>> -> memref<88xi32, #tpu.memory_space<vmem>>
      %dma_wait3A_660 = arith.constant 0 : i32
      %dma_wait3A_661 = arith.constant 0 : i32
      %dma_wait3A_662 = tpu.memref_slice %arg2[%dma_wait3A_660, %dma_wait3A_661] : memref<20224x128xf32, #tpu.memory_space<hbm>> -> memref<20224x128xf32, #tpu.memory_space<hbm>>
      tpu.wait_indirect_dma semaphore(%arg14 : memref<!tpu.dma_semaphore, #tpu.memory_space<semaphore_mem>>) src(%dma_wait3A_662 : memref<20224x128xf32, #tpu.memory_space<hbm>>) dst(%dma_wait3A_656 : memref<88x128xf32, #tpu.memory_space<vmem>>)
      %dma_start3A_663 = arith.constant 3 : i32
      %dma_start3A_664 = arith.constant 1 : i32
      %dma_start3A_665 = arith.constant 5 : i32
      %dma_start3A_666 = arith.constant 1 : i32
      %dma_start3A_667 = arith.constant 0 : i32
      %dma_start3A_668 = arith.constant 0 : i32
      %dma_start3A_669 = tpu.memref_slice %arg8[%dma_start3A_663, %dma_start3A_667, %dma_start3A_668] : memref<4x88x128xf32, #tpu.memory_space<vmem>> -> memref<1x88x128xf32, #tpu.memory_space<vmem>>
      %dma_start3A_670 = tpu.memref_squeeze %dma_start3A_669 : memref<1x88x128xf32, #tpu.memory_space<vmem>> -> memref<88x128xf32, #tpu.memory_space<vmem>>
      %dma_start3A_671 = arith.constant 0 : i32
      %dma_start3A_672 = tpu.memref_slice %arg7[%dma_start3A_664, %dma_start3A_665, %dma_start3A_666, %dma_start3A_671] : memref<2x6x2x88xi32, #tpu.memory_space<vmem>> -> memref<1x1x1x88xi32, #tpu.memory_space<vmem>>
      %dma_start3A_673 = tpu.memref_squeeze %dma_start3A_672 : memref<1x1x1x88xi32, #tpu.memory_space<vmem>> -> memref<88xi32, #tpu.memory_space<vmem>>
      %dma_start3A_674 = arith.constant 0 : i32
      %dma_start3A_675 = arith.constant 0 : i32
      %dma_start3A_676 = tpu.memref_slice %arg6[%dma_start3A_674, %dma_start3A_675] : memref<10112x128xf32, #tpu.memory_space<vmem_shared>> -> memref<10112x128xf32, #tpu.memory_space<vmem_shared>>
      tpu.enqueue_indirect_dma source(%dma_start3A_670 : memref<88x128xf32, #tpu.memory_space<vmem>>) target(%dma_start3A_676 : memref<10112x128xf32, #tpu.memory_space<vmem_shared>>) offsets(%dma_start3A_673 : memref<88xi32, #tpu.memory_space<vmem>>) semaphore(%arg18 : memref<!tpu.dma_semaphore, #tpu.memory_space<semaphore_mem>>) {add = true}
    }
    %scan3A_90 = arith.constant 19 : i32
    %dma_wait3A_91 = arith.constant 3 : i32
    %dma_wait3A_92 = arith.constant 0 : i32
    %dma_wait3A_93 = arith.constant 0 : i32
    %dma_wait3A_94 = arith.constant 1 : i32
    %dma_wait3A_95 = arith.constant 0 : i32
    %dma_wait3A_96 = arith.constant 0 : i32
    %dma_wait3A_97 = tpu.memref_slice %arg8[%dma_wait3A_91, %dma_wait3A_95, %dma_wait3A_96] : memref<4x88x128xf32, #tpu.memory_space<vmem>> -> memref<1x88x128xf32, #tpu.memory_space<vmem>>
    %dma_wait3A_98 = tpu.memref_squeeze %dma_wait3A_97 : memref<1x88x128xf32, #tpu.memory_space<vmem>> -> memref<88x128xf32, #tpu.memory_space<vmem>>
    %dma_wait3A_99 = arith.constant 0 : i32
    %dma_wait3A_100 = tpu.memref_slice %arg7[%dma_wait3A_92, %dma_wait3A_93, %dma_wait3A_94, %dma_wait3A_99] : memref<2x6x2x88xi32, #tpu.memory_space<vmem>> -> memref<1x1x1x88xi32, #tpu.memory_space<vmem>>
    %dma_wait3A_101 = tpu.memref_squeeze %dma_wait3A_100 : memref<1x1x1x88xi32, #tpu.memory_space<vmem>> -> memref<88xi32, #tpu.memory_space<vmem>>
    %dma_wait3A_102 = arith.constant 0 : i32
    %dma_wait3A_103 = arith.constant 0 : i32
    %dma_wait3A_104 = tpu.memref_slice %arg6[%dma_wait3A_102, %dma_wait3A_103] : memref<10112x128xf32, #tpu.memory_space<vmem_shared>> -> memref<10112x128xf32, #tpu.memory_space<vmem_shared>>
    tpu.wait_indirect_dma semaphore(%arg18 : memref<!tpu.dma_semaphore, #tpu.memory_space<semaphore_mem>>) src(%dma_wait3A_98 : memref<88x128xf32, #tpu.memory_space<vmem>>) dst(%dma_wait3A_104 : memref<10112x128xf32, #tpu.memory_space<vmem_shared>>)
    %barrier3A_105 = arith.constant 0 : index
    tpu.barrier barrier_id(%barrier3A_105)
    %mul3A_106 = arith.constant 632 : i32
    %mul3A_107 = arith.muli %arg1, %mul3A_106 : i32
    %mul3A_108 = arith.constant 10112 : i32
    %mul3A_109 = arith.muli %arg0, %mul3A_108 : i32
    %mul3A_110 = arith.constant 632 : i32
    %mul3A_111 = arith.muli %arg1, %mul3A_110 : i32
    %add3A = arith.addi %mul3A_109, %mul3A_111 : i32
    "tpu.region"() ({
      %run_scoped3A = tpu.sem_alloc : memref<!tpu.dma_semaphore, #tpu.memory_space<semaphore_mem>>
      %dma_start3A_112 = arith.constant 0 : i32
      %dma_start3A_113 = tpu.memref_slice %arg5[%add3A, %dma_start3A_112] : memref<20224x128xf32, #tpu.memory_space<hbm>> -> memref<632x128xf32, #tpu.memory_space<hbm>>
      %dma_start3A_114 = arith.constant 0 : i32
      %dma_start3A_115 = tpu.memref_slice %arg6[%mul3A_107, %dma_start3A_114] : memref<10112x128xf32, #tpu.memory_space<vmem_shared>> -> memref<632x128xf32, #tpu.memory_space<vmem_shared>>
      tpu.enqueue_dma source(%dma_start3A_115 : memref<632x128xf32, #tpu.memory_space<vmem_shared>>) target(%dma_start3A_113 : memref<632x128xf32, #tpu.memory_space<hbm>>) target_semaphore(%run_scoped3A : memref<!tpu.dma_semaphore, #tpu.memory_space<semaphore_mem>>)
      %dma_wait3A_116 = arith.constant 0 : i32
      %dma_wait3A_117 = tpu.memref_slice %arg5[%add3A, %dma_wait3A_116] : memref<20224x128xf32, #tpu.memory_space<hbm>> -> memref<632x128xf32, #tpu.memory_space<hbm>>
      %dma_wait3A_118 = arith.constant 0 : i32
      %dma_wait3A_119 = tpu.memref_slice %arg6[%mul3A_107, %dma_wait3A_118] : memref<10112x128xf32, #tpu.memory_space<vmem_shared>> -> memref<632x128xf32, #tpu.memory_space<vmem_shared>>
      tpu.wait_dma2 semaphore(%run_scoped3A : memref<!tpu.dma_semaphore, #tpu.memory_space<semaphore_mem>>) src(%dma_wait3A_119 : memref<632x128xf32, #tpu.memory_space<vmem_shared>>) dst(%dma_wait3A_117 : memref<632x128xf32, #tpu.memory_space<hbm>>)
      tpu.yield
    }) : () -> ()
    return
  }
}

module attributes {stable_mosaic.version = 14 : i64} {
  func.func @_prep_body(%arg0: memref<10000x128xf32, #tpu.memory_space<vmem>>, %arg1: memref<1x1xf32, #tpu.memory_space<vmem>>, %arg2: memref<20224x128xf32, #tpu.memory_space<vmem>>) attributes {dimension_semantics = [], scalar_prefetch = 0 : i64, scratch_operands = 0 : i64, tpu.core_type = #tpu.core_type<tc>} {
    %get3A = arith.constant 0 : index
    %get3A_0 = arith.constant 0 : index
    %get3A_1 = vector.load %arg1[%get3A, %get3A_0] : memref<1x1xf32, #tpu.memory_space<vmem>>, vector<1x1xf32>
    %get3A_2 = vector.extract %get3A_1[0, 0] : f32 from vector<1x1xf32>
    %get3A_3 = arith.constant 0 : index
    %get3A_4 = arith.constant 0 : index
    %get3A_5 = vector.load %arg0[%get3A_3, %get3A_4] : memref<10000x128xf32, #tpu.memory_space<vmem>>, vector<10000x128xf32>
    %max3A = arith.constant 0.000000e+00 : f32
    %max3A_6 = vector.broadcast %max3A : f32 to vector<10000x128xf32>
    %max3A_7 = arith.maximumf %get3A_5, %max3A_6 : vector<10000x128xf32>
    %add3A = arith.constant 1.000000e-07 : f32
    %add3A_8 = vector.broadcast %add3A : f32 to vector<10000x128xf32>
    %add3A_9 = arith.addf %max3A_7, %add3A_8 : vector<10000x128xf32>
    %mul3A = vector.broadcast %get3A_2 : f32 to vector<10000x128xf32>
    %mul3A_10 = arith.mulf %mul3A, %add3A_9 : vector<10000x128xf32>
    %exp3A = math.exp %mul3A_10 : vector<10000x128xf32>
    %broadcast_in_dim3A = arith.constant 0.000000e+00 : f32
    %broadcast_in_dim3A_11 = vector.broadcast %broadcast_in_dim3A : f32 to vector<20224x128xf32>
    %swap3A = arith.constant 0 : index
    %swap3A_12 = arith.constant 0 : index
    %swap3A_13 = vector.load %arg2[%swap3A, %swap3A_12] : memref<20224x128xf32, #tpu.memory_space<vmem>>, vector<20224x128xf32>
    tpu.vector_store %arg2[%swap3A, %swap3A_12], %broadcast_in_dim3A_11 {strides = array<i32>} : memref<20224x128xf32, #tpu.memory_space<vmem>>, vector<20224x128xf32>,
    %swap3A_14 = arith.constant 0 : index
    %swap3A_15 = arith.constant 0 : index
    %swap3A_16 = vector.load %arg2[%swap3A_14, %swap3A_15] : memref<20224x128xf32, #tpu.memory_space<vmem>>, vector<10000x128xf32>
    tpu.vector_store %arg2[%swap3A_14, %swap3A_15], %exp3A {strides = array<i32>} : memref<20224x128xf32, #tpu.memory_space<vmem>>, vector<10000x128xf32>,
    %mul3A_17 = arith.mulf %add3A_9, %exp3A : vector<10000x128xf32>
    %swap3A_18 = arith.constant 10112 : index
    %swap3A_19 = arith.constant 0 : index
    %swap3A_20 = vector.load %arg2[%swap3A_18, %swap3A_19] : memref<20224x128xf32, #tpu.memory_space<vmem>>, vector<10000x128xf32>
    tpu.vector_store %arg2[%swap3A_18, %swap3A_19], %mul3A_17 {strides = array<i32>} : memref<20224x128xf32, #tpu.memory_space<vmem>>, vector<10000x128xf32>,
    return
  }
}

module attributes {stable_mosaic.version = 14 : i64} {
  func.func @_mlp_body(%arg0: i32, %arg1: memref<1000x128xf32, #tpu.memory_space<vmem>>, %arg2: memref<1x1000x128xf32, #tpu.memory_space<vmem>>, %arg3: memref<1x1000x128xf32, #tpu.memory_space<vmem>>, %arg4: memref<128x256xf32, #tpu.memory_space<vmem>>, %arg5: memref<1x256xf32, #tpu.memory_space<vmem>>, %arg6: memref<1x256xf32, #tpu.memory_space<vmem>>, %arg7: memref<1x256xf32, #tpu.memory_space<vmem>>, %arg8: memref<256x128xf32, #tpu.memory_space<vmem>>, %arg9: memref<1x128xf32, #tpu.memory_space<vmem>>, %arg10: memref<1000x128xf32, #tpu.memory_space<vmem>>, %arg11: memref<10x1000x256xf32, #tpu.memory_space<vmem>>, %arg12: memref<1x256xf32, #tpu.memory_space<vmem>>, %arg13: memref<1x256xf32, #tpu.memory_space<vmem>>) attributes {dimension_semantics = [#tpu.dimension_semantics<arbitrary>], iteration_bounds = array<i64: 20>, scalar_prefetch = 0 : i64, scratch_operands = 3 : i64, tpu.core_type = #tpu.core_type<tc>, window_params = [{transform_indices = @transform_0, window_bounds = array<i64: 1000, 128>}, {transform_indices = @transform_1, window_bounds = array<i64: 1, 1000, 128>}, {transform_indices = @transform_2, window_bounds = array<i64: 1, 1000, 128>}, {pipeline_mode = #tpu.pipeline_mode<synchronous>, transform_indices = @transform_3, window_bounds = array<i64: 128, 256>}, {pipeline_mode = #tpu.pipeline_mode<synchronous>, transform_indices = @transform_4, window_bounds = array<i64: 1, 256>}, {pipeline_mode = #tpu.pipeline_mode<synchronous>, transform_indices = @transform_5, window_bounds = array<i64: 1, 256>}, {pipeline_mode = #tpu.pipeline_mode<synchronous>, transform_indices = @transform_6, window_bounds = array<i64: 1, 256>}, {pipeline_mode = #tpu.pipeline_mode<synchronous>, transform_indices = @transform_7, window_bounds = array<i64: 256, 128>}, {pipeline_mode = #tpu.pipeline_mode<synchronous>, transform_indices = @transform_8, window_bounds = array<i64: 1, 128>}, {transform_indices = @transform_9, window_bounds = array<i64: 1000, 128>}]} {
    %lt3A = arith.constant 10 : i32
    %lt3A_0 = arith.cmpi slt, %arg0, %lt3A : i32
    %convert_element_type3A = arith.extui %lt3A_0 : i1 to i32
    %cond3A = arith.constant 0 : i32
    %cond3A_1 = arith.cmpi ne, %convert_element_type3A, %cond3A : i32
    scf.if %cond3A_1 {
      %get3A = arith.constant 0 : index
      %get3A_6 = arith.constant 0 : index
      %get3A_7 = arith.constant 0 : index
      %get3A_8 = vector.load %arg3[%get3A, %get3A_6, %get3A_7] : memref<1x1000x128xf32, #tpu.memory_space<vmem>>, vector<1x1000x128xf32>
      %get3A_9 = vector.shape_cast %get3A_8 : vector<1x1000x128xf32> to vector<1000x128xf32>
      %get3A_10 = arith.constant 0 : index
      %get3A_11 = arith.constant 0 : index
      %get3A_12 = arith.constant 0 : index
      %get3A_13 = vector.load %arg2[%get3A_10, %get3A_11, %get3A_12] : memref<1x1000x128xf32, #tpu.memory_space<vmem>>, vector<1x1000x128xf32>
      %get3A_14 = vector.shape_cast %get3A_13 : vector<1x1000x128xf32> to vector<1000x128xf32>
      %add3A = arith.constant 1.000000e-16 : f32
      %add3A_15 = vector.broadcast %add3A : f32 to vector<1000x128xf32>
      %add3A_16 = arith.addf %get3A_14, %add3A_15 : vector<1000x128xf32>
      %div3A = arith.divf %get3A_9, %add3A_16 : vector<1000x128xf32>
      %get3A_17 = arith.constant 0 : index
      %get3A_18 = arith.constant 0 : index
      %get3A_19 = vector.load %arg1[%get3A_17, %get3A_18] : memref<1000x128xf32, #tpu.memory_space<vmem>>, vector<1000x128xf32>
      %add3A_20 = arith.addf %get3A_19, %div3A : vector<1000x128xf32>
      %get3A_21 = arith.constant 0 : index
      %get3A_22 = arith.constant 0 : index
      %get3A_23 = vector.load %arg4[%get3A_21, %get3A_22] : memref<128x256xf32, #tpu.memory_space<vmem>>, vector<128x256xf32>
      %dot_general3A = arith.constant dense<0.000000e+00> : vector<1000x256xf32>
      %dot_general3A_24 = tpu.matmul %add3A_20, %get3A_23, %dot_general3A {dimension_numbers = #tpu.dot_dimension_numbers<[1], [0], [0], [1], [0, 0, 1, 1], [], []>, transpose_lhs_hint = false} : vector<1000x128xf32>, vector<128x256xf32>, vector<1000x256xf32> -> vector<1000x256xf32>
      %get3A_25 = arith.constant 0 : index
      %get3A_26 = arith.constant 0 : index
      %get3A_27 = vector.load %arg5[%get3A_25, %get3A_26] : memref<1x256xf32, #tpu.memory_space<vmem>>, vector<1x256xf32>
      %add3A_28 = vector.broadcast %get3A_27 : vector<1x256xf32> to vector<1000x256xf32>
      %add3A_29 = arith.addf %dot_general3A_24, %add3A_28 : vector<1000x256xf32>
      %swap3A = arith.index_cast %arg0 : i32 to index
      %swap3A_30 = arith.constant 0 : index
      %swap3A_31 = arith.constant 0 : index
      %swap3A_32 = vector.load %arg11[%swap3A, %swap3A_30, %swap3A_31] : memref<10x1000x256xf32, #tpu.memory_space<vmem>>, vector<1x1000x256xf32>
      %swap3A_33 = vector.shape_cast %swap3A_32 : vector<1x1000x256xf32> to vector<1000x256xf32>
      %swap3A_34 = vector.shape_cast %add3A_29 : vector<1000x256xf32> to vector<1x1000x256xf32>
      tpu.vector_store %arg11[%swap3A, %swap3A_30, %swap3A_31], %swap3A_34 {strides = array<i32>} : memref<10x1000x256xf32, #tpu.memory_space<vmem>>, vector<1x1000x256xf32>,
      %reduce_sum3A = arith.constant dense<0.000000e+00> : vector<256xf32>
      %reduce_sum3A_35 = vector.multi_reduction <add>, %add3A_29, %reduce_sum3A [0] : vector<1000x256xf32> to vector<256xf32>
      %broadcast_in_dim3A = vector.shape_cast %reduce_sum3A_35 : vector<256xf32> to vector<1x256xf32>
      %mul3A = arith.mulf %add3A_29, %add3A_29 : vector<1000x256xf32>
      %reduce_sum3A_36 = arith.constant dense<0.000000e+00> : vector<256xf32>
      %reduce_sum3A_37 = vector.multi_reduction <add>, %mul3A, %reduce_sum3A_36 [0] : vector<1000x256xf32> to vector<256xf32>
      %broadcast_in_dim3A_38 = vector.shape_cast %reduce_sum3A_37 : vector<256xf32> to vector<1x256xf32>
      %eq3A = arith.constant 0 : i32
      %eq3A_39 = arith.cmpi eq, %arg0, %eq3A : i32
      %convert_element_type3A_40 = arith.extui %eq3A_39 : i1 to i32
      %cond3A_41 = arith.constant 0 : i32
      %cond3A_42 = arith.cmpi ne, %convert_element_type3A_40, %cond3A_41 : i32
      scf.if %cond3A_42 {
        %swap3A_47 = arith.constant 0 : index
        %swap3A_48 = arith.constant 0 : index
        %swap3A_49 = vector.load %arg12[%swap3A_47, %swap3A_48] : memref<1x256xf32, #tpu.memory_space<vmem>>, vector<1x256xf32>
        tpu.vector_store %arg12[%swap3A_47, %swap3A_48], %broadcast_in_dim3A {strides = array<i32>} : memref<1x256xf32, #tpu.memory_space<vmem>>, vector<1x256xf32>,
        %swap3A_50 = arith.constant 0 : index
        %swap3A_51 = arith.constant 0 : index
        %swap3A_52 = vector.load %arg13[%swap3A_50, %swap3A_51] : memref<1x256xf32, #tpu.memory_space<vmem>>, vector<1x256xf32>
        tpu.vector_store %arg13[%swap3A_50, %swap3A_51], %broadcast_in_dim3A_38 {strides = array<i32>} : memref<1x256xf32, #tpu.memory_space<vmem>>, vector<1x256xf32>,
      } else {
      }
      %gt3A = arith.constant 0 : i32
      %gt3A_43 = arith.cmpi sgt, %arg0, %gt3A : i32
      %convert_element_type3A_44 = arith.extui %gt3A_43 : i1 to i32
      %cond3A_45 = arith.constant 0 : i32
      %cond3A_46 = arith.cmpi ne, %convert_element_type3A_44, %cond3A_45 : i32
      scf.if %cond3A_46 {
        %get3A_47 = arith.constant 0 : index
        %get3A_48 = arith.constant 0 : index
        %get3A_49 = vector.load %arg12[%get3A_47, %get3A_48] : memref<1x256xf32, #tpu.memory_space<vmem>>, vector<1x256xf32>
        %add3A_50 = arith.addf %get3A_49, %broadcast_in_dim3A : vector<1x256xf32>
        %swap3A_51 = arith.constant 0 : index
        %swap3A_52 = arith.constant 0 : index
        %swap3A_53 = vector.load %arg12[%swap3A_51, %swap3A_52] : memref<1x256xf32, #tpu.memory_space<vmem>>, vector<1x256xf32>
        tpu.vector_store %arg12[%swap3A_51, %swap3A_52], %add3A_50 {strides = array<i32>} : memref<1x256xf32, #tpu.memory_space<vmem>>, vector<1x256xf32>,
        %get3A_54 = arith.constant 0 : index
        %get3A_55 = arith.constant 0 : index
        %get3A_56 = vector.load %arg13[%get3A_54, %get3A_55] : memref<1x256xf32, #tpu.memory_space<vmem>>, vector<1x256xf32>
        %add3A_57 = arith.addf %get3A_56, %broadcast_in_dim3A_38 : vector<1x256xf32>
        %swap3A_58 = arith.constant 0 : index
        %swap3A_59 = arith.constant 0 : index
        %swap3A_60 = vector.load %arg13[%swap3A_58, %swap3A_59] : memref<1x256xf32, #tpu.memory_space<vmem>>, vector<1x256xf32>
        tpu.vector_store %arg13[%swap3A_58, %swap3A_59], %add3A_57 {strides = array<i32>} : memref<1x256xf32, #tpu.memory_space<vmem>>, vector<1x256xf32>,
      } else {
      }
    } else {
    }
    %ge3A = arith.constant 10 : i32
    %ge3A_2 = arith.cmpi sge, %arg0, %ge3A : i32
    %convert_element_type3A_3 = arith.extui %ge3A_2 : i1 to i32
    %cond3A_4 = arith.constant 0 : i32
    %cond3A_5 = arith.cmpi ne, %convert_element_type3A_3, %cond3A_4 : i32
    scf.if %cond3A_5 {
      %get3A = arith.constant 0 : index
      %get3A_6 = arith.constant 0 : index
      %get3A_7 = vector.load %arg12[%get3A, %get3A_6] : memref<1x256xf32, #tpu.memory_space<vmem>>, vector<1x256xf32>
      %div3A = arith.constant 1.000000e+04 : f32
      %div3A_8 = vector.broadcast %div3A : f32 to vector<1x256xf32>
      %div3A_9 = arith.divf %get3A_7, %div3A_8 : vector<1x256xf32>
      %get3A_10 = arith.constant 0 : index
      %get3A_11 = arith.constant 0 : index
      %get3A_12 = vector.load %arg13[%get3A_10, %get3A_11] : memref<1x256xf32, #tpu.memory_space<vmem>>, vector<1x256xf32>
      %div3A_13 = arith.constant 1.000000e+04 : f32
      %div3A_14 = vector.broadcast %div3A_13 : f32 to vector<1x256xf32>
      %div3A_15 = arith.divf %get3A_12, %div3A_14 : vector<1x256xf32>
      %mul3A = arith.mulf %div3A_9, %div3A_9 : vector<1x256xf32>
      %sub3A = arith.subf %div3A_15, %mul3A : vector<1x256xf32>
      %get3A_16 = arith.constant 0 : index
      %get3A_17 = arith.constant 0 : index
      %get3A_18 = vector.load %arg6[%get3A_16, %get3A_17] : memref<1x256xf32, #tpu.memory_space<vmem>>, vector<1x256xf32>
      %add3A = arith.constant 9.99999974E-6 : f32
      %add3A_19 = vector.broadcast %add3A : f32 to vector<1x256xf32>
      %add3A_20 = arith.addf %sub3A, %add3A_19 : vector<1x256xf32>
      %rsqrt3A = math.rsqrt %add3A_20 : vector<1x256xf32>
      %mul3A_21 = arith.mulf %get3A_18, %rsqrt3A : vector<1x256xf32>
      %get3A_22 = arith.constant 0 : index
      %get3A_23 = arith.constant 0 : index
      %get3A_24 = vector.load %arg7[%get3A_22, %get3A_23] : memref<1x256xf32, #tpu.memory_space<vmem>>, vector<1x256xf32>
      %mul3A_25 = arith.mulf %div3A_9, %mul3A_21 : vector<1x256xf32>
      %sub3A_26 = arith.subf %get3A_24, %mul3A_25 : vector<1x256xf32>
      %sub3A_27 = arith.constant 10 : i32
      %sub3A_28 = arith.subi %arg0, %sub3A_27 : i32
      %get3A_29 = arith.index_cast %sub3A_28 : i32 to index
      %get3A_30 = arith.constant 0 : index
      %get3A_31 = arith.constant 0 : index
      %get3A_32 = vector.load %arg11[%get3A_29, %get3A_30, %get3A_31] : memref<10x1000x256xf32, #tpu.memory_space<vmem>>, vector<1x1000x256xf32>
      %get3A_33 = vector.shape_cast %get3A_32 : vector<1x1000x256xf32> to vector<1000x256xf32>
      %mul3A_34 = vector.broadcast %mul3A_21 : vector<1x256xf32> to vector<1000x256xf32>
      %mul3A_35 = arith.mulf %get3A_33, %mul3A_34 : vector<1000x256xf32>
      %add3A_36 = vector.broadcast %sub3A_26 : vector<1x256xf32> to vector<1000x256xf32>
      %add3A_37 = arith.addf %mul3A_35, %add3A_36 : vector<1000x256xf32>
      %max3A = arith.constant 0.000000e+00 : f32
      %max3A_38 = vector.broadcast %max3A : f32 to vector<1000x256xf32>
      %max3A_39 = arith.maximumf %add3A_37, %max3A_38 : vector<1000x256xf32>
      %get3A_40 = arith.constant 0 : index
      %get3A_41 = arith.constant 0 : index
      %get3A_42 = vector.load %arg8[%get3A_40, %get3A_41] : memref<256x128xf32, #tpu.memory_space<vmem>>, vector<256x128xf32>
      %dot_general3A = arith.constant dense<0.000000e+00> : vector<1000x128xf32>
      %dot_general3A_43 = tpu.matmul %max3A_39, %get3A_42, %dot_general3A {dimension_numbers = #tpu.dot_dimension_numbers<[1], [0], [0], [1], [0, 0, 1, 1], [], []>, transpose_lhs_hint = false} : vector<1000x256xf32>, vector<256x128xf32>, vector<1000x128xf32> -> vector<1000x128xf32>
      %get3A_44 = arith.constant 0 : index
      %get3A_45 = arith.constant 0 : index
      %get3A_46 = vector.load %arg9[%get3A_44, %get3A_45] : memref<1x128xf32, #tpu.memory_space<vmem>>, vector<1x128xf32>
      %add3A_47 = vector.broadcast %get3A_46 : vector<1x128xf32> to vector<1000x128xf32>
      %add3A_48 = arith.addf %dot_general3A_43, %add3A_47 : vector<1000x128xf32>
      %swap3A = arith.constant 0 : index
      %swap3A_49 = arith.constant 0 : index
      %swap3A_50 = vector.load %arg10[%swap3A, %swap3A_49] : memref<1000x128xf32, #tpu.memory_space<vmem>>, vector<1000x128xf32>
      tpu.vector_store %arg10[%swap3A, %swap3A_49], %add3A_48 {strides = array<i32>} : memref<1000x128xf32, #tpu.memory_space<vmem>>, vector<1000x128xf32>,
    } else {
    }
    return
  }
  func.func @transform_0(%arg0: i32) -> (i32, i32) {
    %min3A = arith.constant 9 : i32
    %min3A_0 = arith.minsi %arg0, %min3A : i32
    %c0_i32 = arith.constant 0 : i32
    %c0_i32_1 = arith.constant 0 : i32
    return %min3A_0, %c0_i32 : i32, i32
  }
  func.func @transform_1(%arg0: i32) -> (i32, i32, i32) {
    %min3A = arith.constant 9 : i32
    %min3A_0 = arith.minsi %arg0, %min3A : i32
    %c0_i32 = arith.constant 0 : i32
    %c0_i32_1 = arith.constant 0 : i32
    %c0_i32_2 = arith.constant 0 : i32
    return %c0_i32, %min3A_0, %c0_i32_1 : i32, i32, i32
  }
  func.func @transform_2(%arg0: i32) -> (i32, i32, i32) {
    %min3A = arith.constant 9 : i32
    %min3A_0 = arith.minsi %arg0, %min3A : i32
    %c1_i32 = arith.constant 1 : i32
    %c0_i32 = arith.constant 0 : i32
    %c0_i32_1 = arith.constant 0 : i32
    return %c1_i32, %min3A_0, %c0_i32 : i32, i32, i32
  }
  func.func @transform_3(%arg0: i32) -> (i32, i32) {
    %c0_i32 = arith.constant 0 : i32
    %c0_i32_0 = arith.constant 0 : i32
    %c0_i32_1 = arith.constant 0 : i32
    return %c0_i32, %c0_i32_0 : i32, i32
  }
  func.func @transform_4(%arg0: i32) -> (i32, i32) {
    %c0_i32 = arith.constant 0 : i32
    %c0_i32_0 = arith.constant 0 : i32
    %c0_i32_1 = arith.constant 0 : i32
    return %c0_i32, %c0_i32_0 : i32, i32
  }
  func.func @transform_5(%arg0: i32) -> (i32, i32) {
    %c0_i32 = arith.constant 0 : i32
    %c0_i32_0 = arith.constant 0 : i32
    %c0_i32_1 = arith.constant 0 : i32
    return %c0_i32, %c0_i32_0 : i32, i32
  }
  func.func @transform_6(%arg0: i32) -> (i32, i32) {
    %c0_i32 = arith.constant 0 : i32
    %c0_i32_0 = arith.constant 0 : i32
    %c0_i32_1 = arith.constant 0 : i32
    return %c0_i32, %c0_i32_0 : i32, i32
  }
  func.func @transform_7(%arg0: i32) -> (i32, i32) {
    %c0_i32 = arith.constant 0 : i32
    %c0_i32_0 = arith.constant 0 : i32
    %c0_i32_1 = arith.constant 0 : i32
    return %c0_i32, %c0_i32_0 : i32, i32
  }
  func.func @transform_8(%arg0: i32) -> (i32, i32) {
    %c0_i32 = arith.constant 0 : i32
    %c0_i32_0 = arith.constant 0 : i32
    %c0_i32_1 = arith.constant 0 : i32
    return %c0_i32, %c0_i32_0 : i32, i32
  }
  func.func @transform_9(%arg0: i32) -> (i32, i32) {
    %sub3A = arith.constant 10 : i32
    %sub3A_0 = arith.subi %arg0, %sub3A : i32
    %max3A = arith.constant 0 : i32
    %max3A_1 = arith.maxsi %sub3A_0, %max3A : i32
    %c0_i32 = arith.constant 0 : i32
    %c0_i32_2 = arith.constant 0 : i32
    return %max3A_1, %c0_i32 : i32, i32
  }
}

</mosaic_0001>

<sc_bundles>
// kernel: kernel.5.cloned.1.call-start
scs
__scs_entry_jumppad:
0x0: {  	(pc) =	sbr.rel $0x88, $3  }
0x1: {  	(tag) =	ssettag $0x0;
	lr =	simm.s32 $0x1  }
0x2: {  	[smem:$0x3F98] =	sst lr;
	_ =	strace $0xD0000000  }
0x3: {  	_ = 	snop  }
0x4: {  	_ = 	snop  }
0x5: {  	_ = 	snop  }
0x6: {  	_ = 	snop  }
0x7: {  	_ = 	snop  }
__scs_overlays_trampoline_lowered:
0x8: {  	[smem:$0x3FA7] =	sst s0  }
0x9: {  	[smem:$0x3FA8] =	sst s1  }
0xa: {  	[smem:$0x3FA9] =	sst s2  }
0xb: {  	[smem:$0x3FAA] =	sst s3  }
0xc: {  	[smem:$0x3FAB] =	sst s4  }
0xd: {  	[smem:$0x3FAC] =	sst s5  }
0xe: {  	[smem:$0x3FAD] =	sst s6  }
0xf: {  	[smem:$0x3FAE] =	sst s7  }
0x10: {  	[smem:$0x3FAF] =	sst s8  }
0x11: {  	[smem:$0x3FB0] =	sst s9;
	s0 =	simm.s32 @!p0 $0x0  }
0x12: {  	s1 =	sld [smem:$0x3F96];
	s0 =	simm.s32 @p0 $0x1  }
0x13: {  	[smem:$0x3FB1] =	sst s0;
	s0 =	simm.s32 @!p1 $0x0  }
0x14: {  	s2 =	sld [smem:$0x3F95];
	s0 =	simm.s32 @p1 $0x1  }
0x15: {  	[smem:$0x3FB2] =	sst s0;
	s0 =	simm.s32 @!p2 $0x0  }
0x16: {  	s3 =	sld [smem:$0x3FDB];
	s0 =	simm.s32 @p2 $0x1  }
0x17: {  	s4 =	simm.s32 $0x1BF5;
	[smem:$0x3FB4] =	sst s0  }
0x18: {  	s0 =	sld [smem:$0x3F97];
	_ =	swait.ge [sflag:s4], $0x0  }
0x19: {  	s7 =	sld [smem:$0x3F98]  }
0x1a: {  	s8 =	sadd.s32 $0xFFFFE003, lr  }
0x1b: {  	s9 =	sadd.s32 $0xFFFFFEF7, lr;
	s5 =	simm.s32 $0xFFFFFFFF;
	p2 =	slt.u32 s8, $0xFFFFF086  }
0x1c: {  	p1 =	slt.u32 s9, $0xF7A;
	s5 =	simm.s32 @!p2 $0x0  }
0x1d: {  	s5 =	simm.s32 @p1 $0x1;
	p0 =	seq.s32 s7, s2  }
0x1e: {  	s7 =	smul.u32 @!p0 $0xF7A, s2;
	p2 =	seq.s32 @!p0 s5, $0x0  }
0x1f: {  	s9 =	smul.u32 $0xF7A, s1;
	s8 =	simm.s32 @!p0 $0x1BF5;
	p2 =	por !p2, p0  }
0x20: {  	[sflag:s8] =	ssyncset.s32 @!p0 $0xFFFFF086;
	s6 =	sadd.s32 @!p0 s3, s7;
	s7 =	simm.s32 @!p0 $0x108  }
0x21: {  	s3 =	sadd.s32 s3, s9;
	s6 =	sadd.s32 @!p0 $0x88, s6;
	s7 =	simm.s32 @p2 $0x1082  }
0x22: {  	[simem:s7], [sflag:s8] =	dma.local @!p0 [hbm:s6], $0xF7A  }
0x23: {  	s9 =	sor.u32 $0xD0000000, s2;
	s6 =	simm.s32 $0x108;
	_ =	swait.ge @!p0 [sflag:s8], $0x0  }
0x24: {  	s3 =	sadd.s32 $0x88, s3;
	s6 =	simm.s32 @!p1 $0x1082;
	[sflag:s4] =	ssyncset.s32 $0xFFFFF086  }
0x25: {  	[simem:s6], [sflag:s4] =	dma.local [hbm:s3], $0xF7A  }
0x26: {  	[smem:$0x3F98] =	sst s1;
	(tag) =	ssettag s2;
	_ =	strace s9  }
0x27: {  	s1 =	sld [smem:$0x3FA8]  }
0x28: {  	s2 =	sld [smem:$0x3FA9]  }
0x29: {  	s4 =	sld [smem:$0x3FAB]  }
0x2a: {  	p0 =	seq.s32 s5, $0x0;
	s5 =	sld [smem:$0x3FAC]  }
0x2b: {  	s6 =	sld [smem:$0x3FAD]  }
0x2c: {  	s7 =	sld [smem:$0x3FAE]  }
0x2d: {  	s3 =	simm.s32 $0x108;
	s8 =	sld [smem:$0x3FAF]  }
0x2e: {  	s3 =	simm.s32 @!p0 $0x1082;
	s9 =	sld [smem:$0x3FB0]  }
0x2f: {  	lr =	sadd.s32 s0, s3;
	s0 =	sld [smem:$0x3FA7]  }
0x30: {  	s3 =	sld [smem:$0x3FAA]  }
0x31: {  	[smem:$0x3FB3] =	sst s10  }
0x32: {  	s10 =	sld [smem:$0x3FB1];
	_ =	sdelay $0x3  }
0x33: {  	p0 =	seq.s32 s10, $0x1;
	s10 =	sld [smem:$0x3FB3];
	_ =	sdelay $0x3  }
0x34: {  	[smem:$0x3FB3] =	sst s10  }
0x35: {  	s10 =	sld [smem:$0x3FB2];
	_ =	sdelay $0x3  }
0x36: {  	p1 =	seq.s32 s10, $0x1;
	s10 =	sld [smem:$0x3FB3];
	_ =	sdelay $0x3  }
0x37: {  	[smem:$0x3FB3] =	sst s10  }
0x38: {  	s10 =	sld [smem:$0x3FB4]  }
0x39: {  	_ = 	snop;
	(pc) =	sbr.ind lr, $3  }
0x3a: {  	_ = 	snop  }
0x3b: {  	_ = 	snop  }
0x3c: {  	p2 =	seq.s32 s10, $0x1;
	s10 =	sld [smem:$0x3FB3]  }
0x3d: {  	_ =	shalt  }
0x3e: {  	_ =	shalt  }
0x3f: {  	_ =	shalt  }
0x40: {  	_ =	shalt  }
0x41: {  	_ =	shalt  }
0x42: {  	_ =	shalt  }
0x43: {  	_ =	shalt  }
0x44: {  	_ =	shalt  }
0x45: {  	_ =	shalt  }
0x46: {  	_ =	shalt  }
0x47: {  	_ =	shalt  }
0x48: {  	_ =	shalt  }
0x49: {  	_ =	shalt  }
0x4a: {  	_ =	shalt  }
0x4b: {  	_ =	shalt  }
0x4c: {  	_ =	shalt  }
0x4d: {  	_ =	shalt  }
0x4e: {  	_ =	shalt  }
0x4f: {  	_ =	shalt  }
0x50: {  	_ =	shalt  }
0x51: {  	_ =	shalt  }
0x52: {  	_ =	shalt  }
0x53: {  	_ =	shalt  }
0x54: {  	_ =	shalt  }
0x55: {  	_ =	shalt  }
0x56: {  	_ =	shalt  }
0x57: {  	_ =	shalt  }
0x58: {  	_ =	shalt  }
0x59: {  	_ =	shalt  }
0x5a: {  	_ =	shalt  }
0x5b: {  	_ =	shalt  }
0x5c: {  	_ =	shalt  }
0x5d: {  	_ =	shalt  }
0x5e: {  	_ =	shalt  }
0x5f: {  	_ =	shalt  }
0x60: {  	_ =	shalt  }
0x61: {  	_ =	shalt  }
0x62: {  	_ =	shalt  }
0x63: {  	_ =	shalt  }
0x64: {  	_ =	shalt  }
0x65: {  	_ =	shalt  }
0x66: {  	_ =	shalt  }
0x67: {  	_ =	shalt  }
0x68: {  	_ =	shalt  }
0x69: {  	_ =	shalt  }
0x6a: {  	_ =	shalt  }
0x6b: {  	_ =	shalt  }
0x6c: {  	_ =	shalt  }
0x6d: {  	_ =	shalt  }
0x6e: {  	_ =	shalt  }
0x6f: {  	_ =	shalt  }
0x70: {  	_ =	shalt  }
0x71: {  	_ =	shalt  }
0x72: {  	_ =	shalt  }
0x73: {  	_ =	shalt  }
0x74: {  	_ =	shalt  }
0x75: {  	_ =	shalt  }
0x76: {  	_ =	shalt  }
0x77: {  	_ =	shalt  }
0x78: {  	_ =	shalt  }
0x79: {  	_ =	shalt  }
0x7a: {  	_ =	shalt  }
0x7b: {  	_ =	shalt  }
0x7c: {  	_ =	shalt  }
0x7d: {  	_ =	shalt  }
0x7e: {  	_ =	shalt  }
0x7f: {  	_ =	shalt  }
0x80: {  	_ =	shalt  }
0x81: {  	_ =	shalt  }
0x82: {  	_ =	shalt  }
0x83: {  	_ =	shalt  }
0x84: {  	_ =	shalt  }
0x85: {  	_ =	shalt  }
0x86: {  	_ =	shalt  }
0x87: {  	_ =	shalt  }
.Lfunc_end0:
.L_simem_size_0:
called_computation_lowered:
.L_overlay_start_0:
0x88: {  	s2 =	sld [smem:$0x3FD9]  }
0x89: {  	s3 =	sld [smem:$0x3FFE];
	_ =	sdelay $0x1  }
0x8a: {  	s1 =	srdreg.scid  }
0x8b: {  	s0 =	sand.u32 $0x1, s1  }
0x8c: {  	s17 =	sshll.u32 s0, $0xA;
	s2 =	sadd.s32 s3, s2  }
0x8d: {  	s2 =	sadd.s32 s2, s17  }
0x8e: {  	[smem:$0x3FBF] =	sst s2  }
0x8f: {  	_ = 	snop  }
0x90: {  	s2 =	sld [smem:$0x3FD0];
	(tm) =	ssettm $0x1  }
0x91: {  	s18 =	sld [smem:$0x3FFB];
	_ =	sdelay $0x3  }
0x92: {  	_ =	strace s18  }
0x93: {  	s3 =	sld [smem:$0x3FFC];
	_ =	sdelay $0x3  }
0x94: {  	_ =	strace s3  }
0x95: {  	s3 =	sld [smem:$0x3FFD];
	_ =	sdelay $0x3  }
0x96: {  	_ =	strace s3  }
0x97: {  	_ =	strace $0x8FFFFFFF  }
0x98: {  	s19 =	sld [smem:$0x3FDB];
	_ =	sdelay $0x1  }
0x99: {  	s4 =	simm.s32 $_scs_section_size  }
0x9a: {  	s5 =	simm.s32 $_size__tile_overlayer_lowered;
	s6 =	simm.s32 $_tile_overlayer_lowered  }
0x9b: {  	s22 =	simm.s32 $0x1BFF;
	s21 =	sshll.u32 s6, $0x1;
	s3 =	sadd.s32 s4, s19  }
0x9c: {  	s7 =	simm.s32 $0x0;
	s20 =	sshll.u32 s5, $0x1;
	s5 =	sadd.s32 s21, s3  }
0x9d: {  	[timem:s7], [sflag:s22] =	dma.local [hbm:s5], s20  }
0x9e: {  	_ =	swait.ge [sflag:s22], s20  }
0x9f: {  	s4 =	ssub.s32 $0x0, s20;
	[sflag:s22] =	ssyncset.done $0x0  }
0xa0: {  	[sflag:s22] =	ssyncadd.s32 s4;
	_ =	sdelay $0x1  }
0xa1: {  	s23 =	simm.s32 $0x1B8B  }
0xa2: {  	_ =	swait.ge [sflag:s23], $0x1  }
0xa3: {  	[sflag:s23] =	ssyncset.done $0x0  }
0xa4: {  	s25 =	simm.s32 $0x1B8E;
	s24 =	sld [smem:$0x3FFE];
	[sflag:s23] =	ssyncadd.s32 $0xFFFFFFFF  }
0xa5: {  	s26 =	simm.s32 $execute0_lowered;
	[smem:$0x3FD2] =	sst s25  }
0xa6: {  	s5 =	sshll.u32 s26, $0x1;
	_ =	strace $0x80000046;
	[dreg:$0x1] =	wrdreg $0xFFFFFFFF  }
0xa7: {  	s28 =	simm.s32 $_size_execute0_lowered;
	s3 =	sadd.s32 s3, s5;
	[dreg:$0x0] =	wrdreg $0x0  }
0xa8: {  	s5 =	sshll.u32 s28, $0x1;
	[dreg:$0x2] =	wrdreg s3  }
0xa9: {  	[dreg:$0x3] =	wrdreg s5  }
0xaa: {  	[dreg:$0x4] =	wrdreg $0xC0  }
0xab: {  	_ =	task [dreg:s7], $0x5FFFF  }
0xac: {  	[dreg:$0x1] =	wrdreg $0xFFFFFFFF  }
0xad: {  	[dreg:$0x0] =	wrdreg $0x60  }
0xae: {  	[dreg:$0x2] =	wrdreg s24  }
0xaf: {  	[dreg:$0x3] =	wrdreg s2  }
0xb0: {  	[dreg:$0x4] =	wrdreg $0x0  }
0xb1: {  	[dreg:$0x5] =	wrdreg $0x9  }
0xb2: {  	_ =	task.clear_ibuf [dreg:s7], $0x6FFFF;
	_ =	strace $0x90000046  }
0xb3: {  	s29 =	simm.s32 $0x9;
	_ =	strace $0x80000048  }
0xb4: {  	_ =	swait.ge [sflag:s29], $0x1  }
0xb5: {  	[sflag:s29] =	ssyncadd.s32 $0xFFFFFFFF  }
0xb6: {  	_ =	strace $0x90000048  }
0xb7: {  	_ =	sfence  }
0xb8: {  	s30 =	sld [smem:$0x0];
	_ =	sdelay $0x2  }
0xb9: {  	s31 =	sshll.u32 s1, $0xD;
	s1 =	sshrl.u32 s1, $0x2  }
0xba: {  	s3 =	sand.u32 $0x4000, s31;
	s1 =	sadd.s32 s1, s30  }
0xbb: {  	s0 =	sor.u32 s3, s0;
	s1 =	sshll.u32 s1, $0x11  }
0xbc: {  	s0 =	sor.u32 s1, s0  }
0xbd: {  	s0 =	sadd.s32 $0x8F2B, s0  }
0xbe: {  	[sflag:s0] =	ssyncadd.remote.s32 $0x1  }
0xbf: {  	_ =	sfence.sel $0xFFFF  }
0xc0: {  	[dreg:$0x0] =	wrdreg $0xFFFFFFFF;
	(pc) =	sbr.abs _section_cstart, $3  }
0xc1: {  	[dreg:$0x1] =	wrdreg $0xFFFFFFFF  }
0xc2: {  	_ =	task.clear_ibuf [dreg:s7], $0x2FFFF;
	_ =	strace $0x9FFFFFFF  }
0xc3: {  	(tm) =	ssettm $0x7FFFFFFF  }
tec
execute0_lowered:
.L_overlay_start_1:
0x0: {  	(tag) =	ssettag $0x1  }
0x1: {  	s0 =	rddreg [dreg:$0x0]  }
0x2: {  	s3 =	rddreg [dreg:$0x2]  }
0x3: {  	s1 =	srdreg.scid;
	s10 =	stileid.u32;
	s4 =	simm.s32 $0x0  }
0x4: {  	s23 =	simm.s32 $0x13F00;
	s25 =	simm.s32 $0x13C80;
	s13 =	simm.s32 $0x13E80  }
0x5: {  	s14 =	simm.s32 $0x13F80;
	s15 =	simm.s32 $0x14300;
	s2 =	smul.u32 $0x2780, s10  }
0x6: {  	s16 =	simm.s32 $0x14080;
	[smem:$0x7FF] =	sst s4;
	s19 =	smul.u32 $0x4F000, s10  }
0x7: {  	s9 =	smul.u32 $0xE400, s10;
	_ =	strace $0x80000047;
	[dreg:$0x4] =	wrdreg s23  }
0x8: {  	s22 =	sshll.u32 s10, $0x6;
	s10 =	simm.s32 $0x14100;
	[dreg:$0x5] =	wrdreg s25  }
0x9: {  	s17 =	simm.s32 $0x14400;
	s18 =	simm.s32 $0x14180;
	[dreg:$0x8] =	wrdreg s10  }
0xa: {  	s28 =	simm.s32 $0x8;
	s29 =	simm.s32 $0x5;
	[dreg:$0x9] =	wrdreg s13  }
0xb: {  	s30 =	simm.s32 $0x9;
	s31 =	simm.s32 $0x2;
	[dreg:$0xa] =	wrdreg s14  }
0xc: {  	s1 =	sand.u32 $0x1, s1;
	s5 =	sadd.s32 $0x3A600, s0;
	[dreg:$0xb] =	wrdreg s15  }
0xd: {  	s6 =	sadd.s32 $0x1600, s0;
	s7 =	smul.u32 $0x27800, s1;
	[dreg:$0xc] =	wrdreg s16  }
0xe: {  	s20 =	ssub.s32 $0x2, s1;
	s1 =	smul.u32 $0xE4000, s1;
	[dreg:$0xd] =	wrdreg s17  }
0xf: {  	s11 =	sor.u32 $0x1C0B, s22;
	s14 =	simm.s32 $0xB;
	[dreg:$0xe] =	wrdreg s18  }
0x10: {  	s16 =	simm.s32 $0x58;
	s17 =	simm.s32 $0x14800;
	s22 =	simm.s32 $0x14380  }
0x11: {  	s23 =	simm.s32 $0x14700;
	s25 =	simm.s32 $0x14680;
	[dreg:$0x12] =	wrdreg s22  }
0x12: {  	s8 =	sshrl.u32 s20, $0x1;
	[dreg:$0x13] =	wrdreg s23;
	s22 =	simm.s32 $0x1CC00  }
0x13: {  	[dreg:$0x15] =	wrdreg s25;
	s23 =	simm.s32 $0x3;
	s2 =	sadd.s32 s2, s7  }
0x14: {  	s7 =	sshrl.u32 s19, $0x2;
	s1 =	sadd.s32 s9, s1;
	s9 =	simm.s32 $0x13D80  }
0x15: {  	s19 =	simm.s32 $0x14500;
	s0 =	sadd.s32 s2, s0;
	[dreg:$0x7] =	wrdreg s9  }
0x16: {  	s21 =	sadd.s32 s7, s3;
	s7 =	simm.s32 $0x14000;
	[dreg:$0xf] =	wrdreg s19  }
0x17: {  	s2 =	ssub.s32 s20, s8;
	s12 =	sadd.s32 $0xC00, s1;
	[dreg:$0x6] =	wrdreg s7  }
0x18: {  	s24 =	sshrl.u32 s1, $0x3;
	s20 =	simm.s32 $0x14280;
	[dreg:$0x1a] =	wrdreg s12  }
0x19: {  	s25 =	simm.s32 $0x14200;
	s26 =	sadd.s32 s6, s24;
	[dreg:$0x10] =	wrdreg s20  }
0x1a: {  	s1 =	sadd.s32 $0x600, s1;
	s0 =	sadd.s32 $0x89600, s0;
	[dreg:$0x17] =	wrdreg s26  }
0x1b: {  	s19 =	simm.s32 $0x17400;
	s2 =	smax.u32 s2, $0x1;
	[dreg:$0x18] =	wrdreg s0  }
0x1c: {  	s8 =	sshrl.u32 s21, $0x3;
	s21 =	simm.s32 $0x14600;
	[dreg:$0x19] =	wrdreg s2  }
0x1d: {  	s1 =	sshrl.u32 s1, $0x3;
	s24 =	simm.s32 $0x14480;
	[dreg:$0x11] =	wrdreg s21  }
0x1e: {  	s1 =	sadd.s32 s1, s6;
	s21 =	simm.s32 $0x1A000;
	[dreg:$0x14] =	wrdreg s24  }
0x1f: {  	s26 =	simm.s32 $0x14780;
	s24 =	simm.s32 $0x7;
	[dreg:$0x1c] =	wrdreg s8  }
0x20: {  	s0 =	simm.s32 $0x6;
	s2 =	simm.s32 $0x0;
	[dreg:$0x1b] =	wrdreg s1  }
0x21: {  	[dreg:$0x16] =	wrdreg s26;
	s26 =	simm.s32 $0x4;
	s1 =	simm.s32 $0xA  }
.LBB2_1:
0x22: {  	s7 =	rddreg [dreg:$0x1]  }
0x23: {  	[spmem:s8], [sflag:s11] =	dma.local [hbm:s7], $0x2780  }
0x24: {  	_ =	swait.ge [sflag:s14], $0x2780  }
0x25: {  	[sflag:s14] =	ssyncset.done $0x0  }
0x26: {  	[sflag:s14] =	ssyncadd.s32 $0xFFFFD880  }
0x27: {  	[bflag:$0x0] =	sbarrier.arrive $0xFFFF  }
0x28: {  	s9 =	simm.s32 $0x13C00;
	s10 =	simm.s32 $0x1;
	s8 =	rddreg [dreg:$0x17]  }
0x29: {  	[tilespmem:s9], [sflag:$0x1] =	stream.linear.gather [hbm4b:s8+s4], $0x600, $0x38;
	[tilespmem:$0x1F800] =	vst v63  }
0x2a: {  	_ =	swait.ge [sflag:s10], $0x600  }
0x2b: {  	[sflag:s10] =	ssyncset.done $0x0  }
0x2c: {  	p0 =	por $0x1, $0x1;
	[sflag:s10] =	ssyncadd.s32 $0xFFFFFA00  }
0x2d: {  	[tilespmem:s17], [sflag:$0x3] =	stream.indirect.gather [hbm4b:s5+s16], $0x80, s9, s16, $0xb8;
	[tilespmem:$0x1F800] =	vst v63  }
0x2e: {  	s13 =	smov.u32 s11;
	s11 =	simm.s32 $0x13D00;
	p0 =	por p0, p0  }
0x2f: {  	[tilespmem:s19], [sflag:$0x4] =	stream.indirect.gather [hbm4b:s5+s16], $0x80, s11, s16, $0xb8;
	[tilespmem:$0x1F800] =	vst v63  }
0x30: {  	s12 =	simm.s32 $0x13E00;
	s8 =	simm.s32 @!p0 $0xA  }
0x31: {  	[tilespmem:s21], [sflag:$0x5] =	stream.indirect.gather [hbm4b:s5+s16], $0x80, s12, s16, $0xb8;
	[tilespmem:$0x1F800] =	vst v63  }
0x32: {  	_ =	swait.ge @!p0 [sflag:s8], $0x2C00  }
0x33: {  	[sflag:s8] =	ssyncset.done @!p0 $0x0  }
0x34: {  	s15 =	rddreg [dreg:$0x4];
	[sflag:s8] =	ssyncadd.s32 @!p0 $0xFFFFD400  }
0x35: {  	[tilespmem:s22], [sflag:$0x6] =	stream.indirect.gather [hbm4b:s5+s16], $0x80, s15, s16, $0xb8;
	[tilespmem:$0x1F800] =	vst v63  }
0x36: {  	_ =	swait.ge [sflag:s23], $0x2C00  }
0x37: {  	[sflag:s23] =	ssyncset.done $0x0  }
0x38: {  	s18 =	rddreg [dreg:$0x5];
	[sflag:s23] =	ssyncadd.s32 $0xFFFFD400  }
0x39: {  	[spmem:s3] =	stream.indirect.scatter.add.f32 [tilespmem:s17], [sflag:$0x7], $0x80, s18, s16, $0xb8;
	[tilespmem:$0x1F800] =	vst v63  }
0x3a: {  	_ =	swait.ge [sflag:s24], $0x2C00  }
0x3b: {  	[sflag:s24] =	ssyncset.done $0x0  }
0x3c: {  	s11 =	rddreg [dreg:$0x1b];
	[sflag:s24] =	ssyncadd.s32 $0xFFFFD400  }
0x3d: {  	[tilespmem:s25], [sflag:$0x2] =	stream.linear.gather [hbm4b:s11+s4], $0x600, $0x38;
	[tilespmem:$0x1F800] =	vst v63  }
0x3e: {  	s20 =	rddreg [dreg:$0x6]  }
0x3f: {  	[tilespmem:s17], [sflag:$0x3] =	stream.indirect.gather [hbm4b:s5+s16], $0x80, s20, s16, $0xb8;
	[tilespmem:$0x1F800] =	vst v63  }
0x40: {  	_ =	swait.ge [sflag:s26], $0x2C00  }
0x41: {  	[sflag:s26] =	ssyncset.done $0x0  }
0x42: {  	s7 =	rddreg [dreg:$0x7];
	[sflag:s26] =	ssyncadd.s32 $0xFFFFD400  }
0x43: {  	[spmem:s3] =	stream.indirect.scatter.add.f32 [tilespmem:s19], [sflag:$0x8], $0x80, s7, s16, $0xb8;
	[tilespmem:$0x1F800] =	vst v63  }
0x44: {  	_ =	swait.ge [sflag:s28], $0x2C00  }
0x45: {  	[sflag:s28] =	ssyncset.done $0x0  }
0x46: {  	s9 =	rddreg [dreg:$0x8];
	[sflag:s28] =	ssyncadd.s32 $0xFFFFD400  }
0x47: {  	[tilespmem:s19], [sflag:$0x4] =	stream.indirect.gather [hbm4b:s5+s16], $0x80, s9, s16, $0xb8;
	[tilespmem:$0x1F800] =	vst v63  }
0x48: {  	_ =	swait.ge [sflag:s29], $0x2C00  }
0x49: {  	[sflag:s29] =	ssyncset.done $0x0  }
0x4a: {  	s10 =	rddreg [dreg:$0x9];
	[sflag:s29] =	ssyncadd.s32 $0xFFFFD400  }
0x4b: {  	[spmem:s3] =	stream.indirect.scatter.add.f32 [tilespmem:s21], [sflag:$0x9], $0x80, s10, s16, $0xb8;
	[tilespmem:$0x1F800] =	vst v63  }
0x4c: {  	_ =	swait.ge [sflag:s30], $0x2C00  }
0x4d: {  	[sflag:s30] =	ssyncset.done $0x0  }
0x4e: {  	[sflag:s30] =	ssyncadd.s32 $0xFFFFD400  }
0x4f: {  	_ =	swait.ge [sflag:s31], $0x600  }
0x50: {  	[sflag:s31] =	ssyncset.done $0x0  }
0x51: {  	[sflag:s31] =	ssyncadd.s32 $0xFFFFFA00  }
0x52: {  	[tilespmem:s21], [sflag:$0x5] =	stream.indirect.gather [hbm4b:s5+s16], $0x80, s25, s16, $0xb8;
	[tilespmem:$0x1F800] =	vst v63  }
0x53: {  	_ =	swait.ge [sflag:s0], $0x2C00  }
0x54: {  	[sflag:s0] =	ssyncset.done $0x0  }
0x55: {  	s12 =	rddreg [dreg:$0xa];
	[sflag:s0] =	ssyncadd.s32 $0xFFFFD400  }
0x56: {  	[spmem:s3] =	stream.indirect.scatter.add.f32 [tilespmem:s22], [sflag:$0xA], $0x80, s12, s16, $0xb8;
	[tilespmem:$0x1F800] =	vst v63  }
0x57: {  	_ =	swait.ge [sflag:s1], $0x2C00  }
0x58: {  	[sflag:s1] =	ssyncset.done $0x0  }
0x59: {  	s15 =	rddreg [dreg:$0xb];
	[sflag:s1] =	ssyncadd.s32 $0xFFFFD400  }
0x5a: {  	[tilespmem:s22], [sflag:$0x6] =	stream.indirect.gather [hbm4b:s5+s16], $0x80, s15, s16, $0xb8;
	[tilespmem:$0x1F800] =	vst v63  }
0x5b: {  	_ =	swait.ge [sflag:s23], $0x2C00  }
0x5c: {  	[sflag:s23] =	ssyncset.done $0x0  }
0x5d: {  	s18 =	rddreg [dreg:$0xc];
	[sflag:s23] =	ssyncadd.s32 $0xFFFFD400  }
0x5e: {  	[spmem:s3] =	stream.indirect.scatter.add.f32 [tilespmem:s17], [sflag:$0x7], $0x80, s18, s16, $0xb8;
	[tilespmem:$0x1F800] =	vst v63  }
0x5f: {  	_ =	swait.ge [sflag:s24], $0x2C00  }
0x60: {  	[sflag:s24] =	ssyncset.done $0x0  }
0x61: {  	s20 =	rddreg [dreg:$0xd];
	[sflag:s24] =	ssyncadd.s32 $0xFFFFD400  }
0x62: {  	[tilespmem:s17], [sflag:$0x3] =	stream.indirect.gather [hbm4b:s5+s16], $0x80, s20, s16, $0xb8;
	[tilespmem:$0x1F800] =	vst v63  }
0x63: {  	_ =	swait.ge [sflag:s26], $0x2C00  }
0x64: {  	[sflag:s26] =	ssyncset.done $0x0  }
0x65: {  	s7 =	rddreg [dreg:$0xe];
	[sflag:s26] =	ssyncadd.s32 $0xFFFFD400  }
0x66: {  	[spmem:s3] =	stream.indirect.scatter.add.f32 [tilespmem:s19], [sflag:$0x8], $0x80, s7, s16, $0xb8;
	[tilespmem:$0x1F800] =	vst v63  }
0x67: {  	_ =	swait.ge [sflag:s28], $0x2C00  }
0x68: {  	[sflag:s28] =	ssyncset.done $0x0  }
0x69: {  	s9 =	rddreg [dreg:$0xf];
	[sflag:s28] =	ssyncadd.s32 $0xFFFFD400  }
0x6a: {  	[tilespmem:s19], [sflag:$0x4] =	stream.indirect.gather [hbm4b:s5+s16], $0x80, s9, s16, $0xb8;
	[tilespmem:$0x1F800] =	vst v63  }
0x6b: {  	_ =	swait.ge [sflag:s29], $0x2C00  }
0x6c: {  	[sflag:s29] =	ssyncset.done $0x0  }
0x6d: {  	s10 =	rddreg [dreg:$0x10];
	[sflag:s29] =	ssyncadd.s32 $0xFFFFD400  }
0x6e: {  	[spmem:s3] =	stream.indirect.scatter.add.f32 [tilespmem:s21], [sflag:$0x9], $0x80, s10, s16, $0xb8;
	[tilespmem:$0x1F800] =	vst v63  }
0x6f: {  	_ =	swait.ge [sflag:s30], $0x2C00  }
0x70: {  	p0 =	por $0x0, $0x0;
	s7 =	rddreg [dreg:$0x1a]  }
0x71: {  	s15 =	simm.s32 @!p0 $0x13C00;
	[sflag:s30] =	ssyncset.done $0x0;
	s8 =	sshrl.u32 @!p0 s7, $0x3  }
0x72: {  	s9 =	simm.s32 @!p0 $0x0;
	[sflag:s30] =	ssyncadd.s32 $0xFFFFD400;
	s8 =	sadd.s32 @!p0 s6, s8  }
0x73: {  	[tilespmem:s15], [sflag:$0x1] =	stream.linear.gather @!p0 [hbm4b:s8+s9], $0x600, $0x38;
	[tilespmem:$0x1F800] =	vst v63  }
0x74: {  	s10 =	rddreg [dreg:$0x11]  }
0x75: {  	[tilespmem:s21], [sflag:$0x5] =	stream.indirect.gather [hbm4b:s5+s16], $0x80, s10, s16, $0xb8;
	[tilespmem:$0x1F800] =	vst v63  }
0x76: {  	_ =	swait.ge [sflag:s0], $0x2C00  }
0x77: {  	[sflag:s0] =	ssyncset.done $0x0  }
0x78: {  	s12 =	rddreg [dreg:$0x12];
	[sflag:s0] =	ssyncadd.s32 $0xFFFFD400  }
0x79: {  	[spmem:s3] =	stream.indirect.scatter.add.f32 [tilespmem:s22], [sflag:$0xA], $0x80, s12, s16, $0xb8;
	[tilespmem:$0x1F800] =	vst v63  }
0x7a: {  	_ =	swait.ge [sflag:s1], $0x2C00  }
0x7b: {  	[sflag:s1] =	ssyncset.done $0x0  }
0x7c: {  	s15 =	rddreg [dreg:$0x13];
	[sflag:s1] =	ssyncadd.s32 $0xFFFFD400  }
0x7d: {  	[tilespmem:s22], [sflag:$0x6] =	stream.indirect.gather [hbm4b:s5+s16], $0x80, s15, s16, $0xb8;
	[tilespmem:$0x1F800] =	vst v63  }
0x7e: {  	_ =	swait.ge [sflag:s23], $0x2C00  }
0x7f: {  	[sflag:s23] =	ssyncset.done $0x0  }
0x80: {  	s18 =	rddreg [dreg:$0x14];
	[sflag:s23] =	ssyncadd.s32 $0xFFFFD400  }
0x81: {  	[spmem:s3] =	stream.indirect.scatter.add.f32 [tilespmem:s17], [sflag:$0x7], $0x80, s18, s16, $0xb8;
	[tilespmem:$0x1F800] =	vst v63  }
0x82: {  	_ =	swait.ge [sflag:s24], $0x2C00  }
0x83: {  	p0 =	por $0x0, $0x0;
	[sflag:s24] =	ssyncset.done $0x0  }
0x84: {  	s8 =	simm.s32 @p0 $0x4;
	[sflag:s24] =	ssyncadd.s32 $0xFFFFD400  }
0x85: {  	_ =	swait.ge @p0 [sflag:s8], $0x2C00  }
0x86: {  	s9 =	simm.s32 @p0 $0x17400;
	s10 =	simm.s32 @p0 $0x58;
	[sflag:s8] =	ssyncset.done @p0 $0x0  }
0x87: {  	s15 =	simm.s32 @p0 $0x14580;
	[sflag:s8] =	ssyncadd.s32 @p0 $0xFFFFD400;
	s8 =	simm.s32 @p0 $0x8  }
0x88: {  	[spmem:s3] =	stream.indirect.scatter.add.f32 @p0 [tilespmem:s9], [sflag:$0x8], $0x80, s15, s10, $0xb8;
	[tilespmem:$0x1F800] =	vst v63  }
0x89: {  	_ =	swait.ge @p0 [sflag:s8], $0x2C00  }
0x8a: {  	[sflag:s8] =	ssyncset.done @p0 $0x0  }
0x8b: {  	s9 =	simm.s32 @!p0 $0x1;
	[sflag:s8] =	ssyncadd.s32 @p0 $0xFFFFD400  }
0x8c: {  	_ =	swait.ge @!p0 [sflag:s9], $0x600  }
0x8d: {  	s10 =	simm.s32 @!p0 $0x58;
	s15 =	simm.s32 @!p0 $0x13C00;
	[sflag:s9] =	ssyncset.done @!p0 $0x0  }
0x8e: {  	s8 =	simm.s32 @!p0 $0x14800;
	[sflag:s9] =	ssyncadd.s32 @!p0 $0xFFFFFA00;
	s9 =	simm.s32 @!p0 $0x4  }
0x8f: {  	[tilespmem:s8], [sflag:$0x3] =	stream.indirect.gather @!p0 [hbm4b:s5+s10], $0x80, s15, s10, $0xb8;
	[tilespmem:$0x1F800] =	vst v63  }
0x90: {  	_ =	swait.ge @!p0 [sflag:s9], $0x2C00  }
0x91: {  	s8 =	simm.s32 @!p0 $0x14580;
	[sflag:s9] =	ssyncset.done @!p0 $0x0  }
0x92: {  	s15 =	simm.s32 @!p0 $0x17400;
	[sflag:s9] =	ssyncadd.s32 @!p0 $0xFFFFD400;
	s9 =	simm.s32 @!p0 $0x8  }
0x93: {  	[spmem:s3] =	stream.indirect.scatter.add.f32 @!p0 [tilespmem:s15], [sflag:$0x8], $0x80, s8, s10, $0xb8;
	[tilespmem:$0x1F800] =	vst v63  }
0x94: {  	_ =	swait.ge @!p0 [sflag:s9], $0x2C00  }
0x95: {  	[sflag:s9] =	ssyncset.done @!p0 $0x0  }
0x96: {  	s8 =	simm.s32 @!p0 $0x13D00;
	[sflag:s9] =	ssyncadd.s32 @!p0 $0xFFFFD400  }
0x97: {  	[tilespmem:s15], [sflag:$0x4] =	stream.indirect.gather @!p0 [hbm4b:s5+s10], $0x80, s8, s10, $0xb8;
	[tilespmem:$0x1F800] =	vst v63  }
0x98: {  	_ =	swait.ge [sflag:s29], $0x2C00  }
0x99: {  	[sflag:s29] =	ssyncset.done $0x0  }
0x9a: {  	s20 =	rddreg [dreg:$0x15];
	[sflag:s29] =	ssyncadd.s32 $0xFFFFD400  }
0x9b: {  	[spmem:s3] =	stream.indirect.scatter.add.f32 [tilespmem:s21], [sflag:$0x9], $0x80, s20, s16, $0xb8;
	[tilespmem:$0x1F800] =	vst v63  }
0x9c: {  	_ =	swait.ge [sflag:s30], $0x2C00  }
0x9d: {  	p6 =	por $0x0, $0x0;
	[sflag:s30] =	ssyncset.done $0x0  }
0x9e: {  	s9 =	simm.s32 @!p0 $0x1A000;
	s8 =	simm.s32 @!p0 $0x13E00;
	[sflag:s30] =	ssyncadd.s32 $0xFFFFD400  }
0x9f: {  	[tilespmem:s9], [sflag:$0x5] =	stream.indirect.gather @!p0 [hbm4b:s5+s10], $0x80, s8, s10, $0xb8;
	[tilespmem:$0x1F800] =	vst v63  }
0xa0: {  	s18 =	simm.s32 $0x3;
	s20 =	sadd.s32 $0xC00, s7;
	_ =	swait.ge [sflag:s0], $0x2C00  }
0xa1: {  	s9 =	simm.s32 $0x5;
	p0 =	por p6, p6;
	[sflag:s0] =	ssyncset.done $0x0  }
0xa2: {  	s8 =	sadd.s32 $0x180, s11;
	s15 =	rddreg [dreg:$0x16];
	[sflag:s0] =	ssyncadd.s32 $0xFFFFD400  }
.LBB2_2:
0xa3: {  	s7 =	simm.s32 @!p0 $0xA  }
0xa4: {  	[spmem:s3] =	stream.indirect.scatter.add.f32 [tilespmem:s22], [sflag:$0xA], $0x80, s15, s16, $0xb8;
	[tilespmem:$0x1F800] =	vst v63  }
0xa5: {  	_ =	swait.ge @!p0 [sflag:s7], $0x2C00  }
0xa6: {  	[sflag:s7] =	ssyncset.done @!p0 $0x0  }
0xa7: {  	s12 =	rddreg [dreg:$0x4];
	[sflag:s7] =	ssyncadd.s32 @!p0 $0xFFFFD400  }
0xa8: {  	[tilespmem:s22], [sflag:$0x6] =	stream.indirect.gather [hbm4b:s5+s16], $0x80, s12, s16, $0xb8;
	[tilespmem:$0x1F800] =	vst v63  }
0xa9: {  	_ =	swait.ge [sflag:s23], $0x2C00  }
0xaa: {  	[sflag:s23] =	ssyncset.done $0x0  }
0xab: {  	s15 =	rddreg [dreg:$0x5];
	[sflag:s23] =	ssyncadd.s32 $0xFFFFD400  }
0xac: {  	[spmem:s3] =	stream.indirect.scatter.add.f32 [tilespmem:s17], [sflag:$0x7], $0x80, s15, s16, $0xb8;
	[tilespmem:$0x1F800] =	vst v63  }
0xad: {  	_ =	swait.ge [sflag:s24], $0x2C00  }
0xae: {  	[sflag:s24] =	ssyncset.done $0x0  }
0xaf: {  	[sflag:s24] =	ssyncadd.s32 $0xFFFFD400  }
0xb0: {  	[tilespmem:s25], [sflag:$0x2] =	stream.linear.gather [hbm4b:s8+s4], $0x600, $0x38;
	[tilespmem:$0x1F800] =	vst v63  }
0xb1: {  	s11 =	rddreg [dreg:$0x6]  }
0xb2: {  	[tilespmem:s17], [sflag:$0x3] =	stream.indirect.gather [hbm4b:s5+s16], $0x80, s11, s16, $0xb8;
	[tilespmem:$0x1F800] =	vst v63  }
0xb3: {  	_ =	swait.ge [sflag:s26], $0x2C00  }
0xb4: {  	[sflag:s26] =	ssyncset.done $0x0  }
0xb5: {  	s12 =	rddreg [dreg:$0x7];
	[sflag:s26] =	ssyncadd.s32 $0xFFFFD400  }
0xb6: {  	[spmem:s3] =	stream.indirect.scatter.add.f32 [tilespmem:s19], [sflag:$0x8], $0x80, s12, s16, $0xb8;
	[tilespmem:$0x1F800] =	vst v63  }
0xb7: {  	_ =	swait.ge [sflag:s28], $0x2C00  }
0xb8: {  	[sflag:s28] =	ssyncset.done $0x0  }
0xb9: {  	s15 =	rddreg [dreg:$0x8];
	[sflag:s28] =	ssyncadd.s32 $0xFFFFD400  }
0xba: {  	[tilespmem:s19], [sflag:$0x4] =	stream.indirect.gather [hbm4b:s5+s16], $0x80, s15, s16, $0xb8;
	[tilespmem:$0x1F800] =	vst v63  }
0xbb: {  	_ =	swait.ge [sflag:s29], $0x2C00  }
0xbc: {  	[sflag:s29] =	ssyncset.done $0x0  }
0xbd: {  	s11 =	rddreg [dreg:$0x9];
	[sflag:s29] =	ssyncadd.s32 $0xFFFFD400  }
0xbe: {  	[spmem:s3] =	stream.indirect.scatter.add.f32 [tilespmem:s21], [sflag:$0x9], $0x80, s11, s16, $0xb8;
	[tilespmem:$0x1F800] =	vst v63  }
0xbf: {  	_ =	swait.ge [sflag:s30], $0x2C00  }
0xc0: {  	[sflag:s30] =	ssyncset.done $0x0  }
0xc1: {  	[sflag:s30] =	ssyncadd.s32 $0xFFFFD400  }
0xc2: {  	_ =	swait.ge [sflag:s31], $0x600  }
0xc3: {  	[sflag:s31] =	ssyncset.done $0x0  }
0xc4: {  	[sflag:s31] =	ssyncadd.s32 $0xFFFFFA00  }
0xc5: {  	[tilespmem:s21], [sflag:$0x5] =	stream.indirect.gather [hbm4b:s5+s16], $0x80, s25, s16, $0xb8;
	[tilespmem:$0x1F800] =	vst v63  }
0xc6: {  	_ =	swait.ge [sflag:s0], $0x2C00  }
0xc7: {  	[sflag:s0] =	ssyncset.done $0x0  }
0xc8: {  	s12 =	rddreg [dreg:$0xa];
	[sflag:s0] =	ssyncadd.s32 $0xFFFFD400  }
0xc9: {  	[spmem:s3] =	stream.indirect.scatter.add.f32 [tilespmem:s22], [sflag:$0xA], $0x80, s12, s16, $0xb8;
	[tilespmem:$0x1F800] =	vst v63  }
0xca: {  	_ =	swait.ge [sflag:s1], $0x2C00  }
0xcb: {  	[sflag:s1] =	ssyncset.done $0x0  }
0xcc: {  	s15 =	rddreg [dreg:$0xb];
	[sflag:s1] =	ssyncadd.s32 $0xFFFFD400  }
0xcd: {  	[tilespmem:s22], [sflag:$0x6] =	stream.indirect.gather [hbm4b:s5+s16], $0x80, s15, s16, $0xb8;
	[tilespmem:$0x1F800] =	vst v63  }
0xce: {  	_ =	swait.ge [sflag:s23], $0x2C00  }
0xcf: {  	[sflag:s23] =	ssyncset.done $0x0  }
0xd0: {  	s11 =	rddreg [dreg:$0xc];
	[sflag:s23] =	ssyncadd.s32 $0xFFFFD400  }
0xd1: {  	[spmem:s3] =	stream.indirect.scatter.add.f32 [tilespmem:s17], [sflag:$0x7], $0x80, s11, s16, $0xb8;
	[tilespmem:$0x1F800] =	vst v63  }
0xd2: {  	_ =	swait.ge [sflag:s24], $0x2C00  }
0xd3: {  	[sflag:s24] =	ssyncset.done $0x0  }
0xd4: {  	s12 =	rddreg [dreg:$0xd];
	[sflag:s24] =	ssyncadd.s32 $0xFFFFD400  }
0xd5: {  	[tilespmem:s17], [sflag:$0x3] =	stream.indirect.gather [hbm4b:s5+s16], $0x80, s12, s16, $0xb8;
	[tilespmem:$0x1F800] =	vst v63  }
0xd6: {  	_ =	swait.ge [sflag:s26], $0x2C00  }
0xd7: {  	[sflag:s26] =	ssyncset.done $0x0  }
0xd8: {  	s15 =	rddreg [dreg:$0xe];
	[sflag:s26] =	ssyncadd.s32 $0xFFFFD400  }
0xd9: {  	[spmem:s3] =	stream.indirect.scatter.add.f32 [tilespmem:s19], [sflag:$0x8], $0x80, s15, s16, $0xb8;
	[tilespmem:$0x1F800] =	vst v63  }
0xda: {  	_ =	swait.ge [sflag:s28], $0x2C00  }
0xdb: {  	[sflag:s28] =	ssyncset.done $0x0  }
0xdc: {  	s11 =	rddreg [dreg:$0xf];
	[sflag:s28] =	ssyncadd.s32 $0xFFFFD400  }
0xdd: {  	[tilespmem:s19], [sflag:$0x4] =	stream.indirect.gather [hbm4b:s5+s16], $0x80, s11, s16, $0xb8;
	[tilespmem:$0x1F800] =	vst v63  }
0xde: {  	p2 =	seq.s32 s9, $0x1;
	_ =	swait.ge [sflag:s29], $0x2C00  }
0xdf: {  	p0 =	por p2, p2;
	[sflag:s29] =	ssyncset.done $0x0  }
0xe0: {  	p2 =	seq.s32 s18, $0x25;
	s12 =	rddreg [dreg:$0x10];
	[sflag:s29] =	ssyncadd.s32 $0xFFFFD400  }
0xe1: {  	[spmem:s3] =	stream.indirect.scatter.add.f32 [tilespmem:s21], [sflag:$0x9], $0x80, s12, s16, $0xb8;
	[tilespmem:$0x1F800] =	vst v63  }
0xe2: {  	s7 =	sshrl.u32 @!p2 s20, $0x3;
	_ =	swait.ge [sflag:s30], $0x2C00  }
0xe3: {  	s7 =	sadd.s32 @!p2 s6, s7;
	[sflag:s30] =	ssyncset.done $0x0  }
0xe4: {  	s15 =	simm.s32 @!p2 $0x0;
	s12 =	simm.s32 @!p2 $0x13C00;
	[sflag:s30] =	ssyncadd.s32 $0xFFFFD400  }
0xe5: {  	[tilespmem:s12], [sflag:$0x1] =	stream.linear.gather @!p2 [hbm4b:s7+s15], $0x600, $0x38;
	[tilespmem:$0x1F800] =	vst v63  }
0xe6: {  	s11 =	rddreg [dreg:$0x11]  }
0xe7: {  	[tilespmem:s21], [sflag:$0x5] =	stream.indirect.gather [hbm4b:s5+s16], $0x80, s11, s16, $0xb8;
	[tilespmem:$0x1F800] =	vst v63  }
0xe8: {  	_ =	swait.ge [sflag:s0], $0x2C00  }
0xe9: {  	[sflag:s0] =	ssyncset.done $0x0  }
0xea: {  	s15 =	rddreg [dreg:$0x12];
	[sflag:s0] =	ssyncadd.s32 $0xFFFFD400  }
0xeb: {  	[spmem:s3] =	stream.indirect.scatter.add.f32 [tilespmem:s22], [sflag:$0xA], $0x80, s15, s16, $0xb8;
	[tilespmem:$0x1F800] =	vst v63  }
0xec: {  	_ =	swait.ge [sflag:s1], $0x2C00  }
0xed: {  	[sflag:s1] =	ssyncset.done $0x0  }
0xee: {  	s11 =	rddreg [dreg:$0x13];
	[sflag:s1] =	ssyncadd.s32 $0xFFFFD400  }
0xef: {  	[tilespmem:s22], [sflag:$0x6] =	stream.indirect.gather [hbm4b:s5+s16], $0x80, s11, s16, $0xb8;
	[tilespmem:$0x1F800] =	vst v63  }
0xf0: {  	_ =	swait.ge [sflag:s23], $0x2C00  }
0xf1: {  	[sflag:s23] =	ssyncset.done $0x0  }
0xf2: {  	s12 =	rddreg [dreg:$0x14];
	[sflag:s23] =	ssyncadd.s32 $0xFFFFD400  }
0xf3: {  	[spmem:s3] =	stream.indirect.scatter.add.f32 [tilespmem:s17], [sflag:$0x7], $0x80, s12, s16, $0xb8;
	[tilespmem:$0x1F800] =	vst v63  }
0xf4: {  	_ =	swait.ge [sflag:s24], $0x2C00  }
0xf5: {  	p2 =	sgt.u32 s18, $0x24;
	[sflag:s24] =	ssyncset.done $0x0  }
0xf6: {  	s10 =	smov.u32 s9;
	s7 =	simm.s32 @p2 $0x4;
	[sflag:s24] =	ssyncadd.s32 $0xFFFFD400  }
0xf7: {  	s18 =	smov.u32 s10;
	_ =	swait.ge @p2 [sflag:s7], $0x2C00  }
0xf8: {  	s10 =	simm.s32 @p2 $0x17400;
	s11 =	simm.s32 @p2 $0x58;
	[sflag:s7] =	ssyncset.done @p2 $0x0  }
0xf9: {  	s12 =	simm.s32 @p2 $0x14580;
	[sflag:s7] =	ssyncadd.s32 @p2 $0xFFFFD400;
	s7 =	simm.s32 @p2 $0x8  }
0xfa: {  	[spmem:s3] =	stream.indirect.scatter.add.f32 @p2 [tilespmem:s10], [sflag:$0x8], $0x80, s12, s11, $0xb8;
	[tilespmem:$0x1F800] =	vst v63  }
0xfb: {  	_ =	swait.ge @p2 [sflag:s7], $0x2C00  }
0xfc: {  	[sflag:s7] =	ssyncset.done @p2 $0x0  }
0xfd: {  	s10 =	simm.s32 @!p2 $0x1;
	[sflag:s7] =	ssyncadd.s32 @p2 $0xFFFFD400  }
0xfe: {  	_ =	swait.ge @!p2 [sflag:s10], $0x600  }
0xff: {  	s11 =	simm.s32 @!p2 $0x58;
	s12 =	simm.s32 @!p2 $0x13C00;
	[sflag:s10] =	ssyncset.done @!p2 $0x0  }
0x100: {  	s7 =	simm.s32 @!p2 $0x14800;
	[sflag:s10] =	ssyncadd.s32 @!p2 $0xFFFFFA00;
	s10 =	simm.s32 @!p2 $0x4  }
0x101: {  	[tilespmem:s7], [sflag:$0x3] =	stream.indirect.gather @!p2 [hbm4b:s5+s11], $0x80, s12, s11, $0xb8;
	[tilespmem:$0x1F800] =	vst v63  }
0x102: {  	_ =	swait.ge @!p2 [sflag:s10], $0x2C00  }
0x103: {  	s7 =	simm.s32 @!p2 $0x14580;
	[sflag:s10] =	ssyncset.done @!p2 $0x0  }
0x104: {  	s12 =	simm.s32 @!p2 $0x17400;
	[sflag:s10] =	ssyncadd.s32 @!p2 $0xFFFFD400;
	s10 =	simm.s32 @!p2 $0x8  }
0x105: {  	[spmem:s3] =	stream.indirect.scatter.add.f32 @!p2 [tilespmem:s12], [sflag:$0x8], $0x80, s7, s11, $0xb8;
	[tilespmem:$0x1F800] =	vst v63  }
0x106: {  	_ =	swait.ge @!p2 [sflag:s10], $0x2C00  }
0x107: {  	[sflag:s10] =	ssyncset.done @!p2 $0x0  }
0x108: {  	s7 =	simm.s32 @!p2 $0x13D00;
	[sflag:s10] =	ssyncadd.s32 @!p2 $0xFFFFD400  }
0x109: {  	[tilespmem:s12], [sflag:$0x4] =	stream.indirect.gather @!p2 [hbm4b:s5+s11], $0x80, s7, s11, $0xb8;
	[tilespmem:$0x1F800] =	vst v63  }
0x10a: {  	_ =	swait.ge [sflag:s29], $0x2C00  }
0x10b: {  	[sflag:s29] =	ssyncset.done $0x0  }
0x10c: {  	s15 =	rddreg [dreg:$0x15];
	[sflag:s29] =	ssyncadd.s32 $0xFFFFD400  }
0x10d: {  	[spmem:s3] =	stream.indirect.scatter.add.f32 [tilespmem:s21], [sflag:$0x9], $0x80, s15, s16, $0xb8;
	[tilespmem:$0x1F800] =	vst v63  }
0x10e: {  	s9 =	sadd.s32 $0x2, s9;
	_ =	swait.ge [sflag:s30], $0x2C00  }
0x10f: {  	p1 =	sne.s32 s9, $0x27;
	s10 =	simm.s32 @!p2 $0x1A000;
	[sflag:s30] =	ssyncset.done $0x0  }
.Ltmp0:
0x110: {  	s7 =	simm.s32 @!p2 $0x13E00;
	[sflag:s30] =	ssyncadd.s32 $0xFFFFD400;
	(pc) =	sbr.rel @p1 .LBB2_2-.Ltmp0, $4  }
0x111: {  	[tilespmem:s10], [sflag:$0x5] =	stream.indirect.gather @!p2 [hbm4b:s5+s11], $0x80, s7, s11, $0xb8;
	[tilespmem:$0x1F800] =	vst v63  }
0x112: {  	_ =	swait.ge [sflag:s0], $0x2C00  }
0x113: {  	s20 =	sadd.s32 $0xC00, s20;
	[sflag:s0] =	ssyncset.done $0x0  }
0x114: {  	s8 =	sadd.s32 $0x180, s8;
	s15 =	rddreg [dreg:$0x16];
	[sflag:s0] =	ssyncadd.s32 $0xFFFFD400  }
0x115: {  	s7 =	simm.s32 @!p0 $0xA  }
0x116: {  	[spmem:s3] =	stream.indirect.scatter.add.f32 [tilespmem:s22], [sflag:$0xA], $0x80, s15, s16, $0xb8;
	[tilespmem:$0x1F800] =	vst v63  }
0x117: {  	_ =	swait.ge @!p0 [sflag:s7], $0x2C00  }
0x118: {  	[sflag:s7] =	ssyncset.done @!p0 $0x0  }
0x119: {  	s9 =	rddreg [dreg:$0x4];
	[sflag:s7] =	ssyncadd.s32 @!p0 $0xFFFFD400  }
0x11a: {  	[tilespmem:s22], [sflag:$0x6] =	stream.indirect.gather [hbm4b:s5+s16], $0x80, s9, s16, $0xb8;
	[tilespmem:$0x1F800] =	vst v63  }
0x11b: {  	_ =	swait.ge [sflag:s23], $0x2C00  }
0x11c: {  	[sflag:s23] =	ssyncset.done $0x0  }
0x11d: {  	s15 =	rddreg [dreg:$0x5];
	[sflag:s23] =	ssyncadd.s32 $0xFFFFD400  }
0x11e: {  	[spmem:s3] =	stream.indirect.scatter.add.f32 [tilespmem:s17], [sflag:$0x7], $0x80, s15, s16, $0xb8;
	[tilespmem:$0x1F800] =	vst v63  }
0x11f: {  	_ =	swait.ge [sflag:s24], $0x2C00  }
0x120: {  	[sflag:s24] =	ssyncset.done $0x0  }
0x121: {  	[sflag:s24] =	ssyncadd.s32 $0xFFFFD400  }
0x122: {  	[tilespmem:s25], [sflag:$0x2] =	stream.linear.gather [hbm4b:s8+s4], $0x600, $0x38;
	[tilespmem:$0x1F800] =	vst v63  }
0x123: {  	s9 =	rddreg [dreg:$0x6]  }
0x124: {  	[tilespmem:s17], [sflag:$0x3] =	stream.indirect.gather [hbm4b:s5+s16], $0x80, s9, s16, $0xb8;
	[tilespmem:$0x1F800] =	vst v63  }
0x125: {  	_ =	swait.ge [sflag:s26], $0x2C00  }
0x126: {  	[sflag:s26] =	ssyncset.done $0x0  }
0x127: {  	s10 =	rddreg [dreg:$0x7];
	[sflag:s26] =	ssyncadd.s32 $0xFFFFD400  }
0x128: {  	[spmem:s3] =	stream.indirect.scatter.add.f32 [tilespmem:s19], [sflag:$0x8], $0x80, s10, s16, $0xb8;
	[tilespmem:$0x1F800] =	vst v63  }
0x129: {  	_ =	swait.ge [sflag:s28], $0x2C00  }
0x12a: {  	[sflag:s28] =	ssyncset.done $0x0  }
0x12b: {  	s11 =	rddreg [dreg:$0x8];
	[sflag:s28] =	ssyncadd.s32 $0xFFFFD400  }
0x12c: {  	[tilespmem:s19], [sflag:$0x4] =	stream.indirect.gather [hbm4b:s5+s16], $0x80, s11, s16, $0xb8;
	[tilespmem:$0x1F800] =	vst v63  }
0x12d: {  	_ =	swait.ge [sflag:s29], $0x2C00  }
0x12e: {  	[sflag:s29] =	ssyncset.done $0x0  }
0x12f: {  	s12 =	rddreg [dreg:$0x9];
	[sflag:s29] =	ssyncadd.s32 $0xFFFFD400  }
0x130: {  	[spmem:s3] =	stream.indirect.scatter.add.f32 [tilespmem:s21], [sflag:$0x9], $0x80, s12, s16, $0xb8;
	[tilespmem:$0x1F800] =	vst v63  }
0x131: {  	_ =	swait.ge [sflag:s30], $0x2C00  }
0x132: {  	[sflag:s30] =	ssyncset.done $0x0  }
0x133: {  	[sflag:s30] =	ssyncadd.s32 $0xFFFFD400  }
0x134: {  	_ =	swait.ge [sflag:s31], $0x600  }
0x135: {  	[sflag:s31] =	ssyncset.done $0x0  }
0x136: {  	[sflag:s31] =	ssyncadd.s32 $0xFFFFFA00  }
0x137: {  	[tilespmem:s21], [sflag:$0x5] =	stream.indirect.gather [hbm4b:s5+s16], $0x80, s25, s16, $0xb8;
	[tilespmem:$0x1F800] =	vst v63  }
0x138: {  	_ =	swait.ge [sflag:s0], $0x2C00  }
0x139: {  	[sflag:s0] =	ssyncset.done $0x0  }
0x13a: {  	s15 =	rddreg [dreg:$0xa];
	[sflag:s0] =	ssyncadd.s32 $0xFFFFD400  }
0x13b: {  	[spmem:s3] =	stream.indirect.scatter.add.f32 [tilespmem:s22], [sflag:$0xA], $0x80, s15, s16, $0xb8;
	[tilespmem:$0x1F800] =	vst v63  }
0x13c: {  	_ =	swait.ge [sflag:s1], $0x2C00  }
0x13d: {  	[sflag:s1] =	ssyncset.done $0x0  }
0x13e: {  	s8 =	rddreg [dreg:$0xb];
	[sflag:s1] =	ssyncadd.s32 $0xFFFFD400  }
0x13f: {  	[tilespmem:s22], [sflag:$0x6] =	stream.indirect.gather [hbm4b:s5+s16], $0x80, s8, s16, $0xb8;
	[tilespmem:$0x1F800] =	vst v63  }
0x140: {  	_ =	swait.ge [sflag:s23], $0x2C00  }
0x141: {  	[sflag:s23] =	ssyncset.done $0x0  }
0x142: {  	s9 =	rddreg [dreg:$0xc];
	[sflag:s23] =	ssyncadd.s32 $0xFFFFD400  }
0x143: {  	[spmem:s3] =	stream.indirect.scatter.add.f32 [tilespmem:s17], [sflag:$0x7], $0x80, s9, s16, $0xb8;
	[tilespmem:$0x1F800] =	vst v63  }
0x144: {  	_ =	swait.ge [sflag:s24], $0x2C00  }
0x145: {  	[sflag:s24] =	ssyncset.done $0x0  }
0x146: {  	s10 =	rddreg [dreg:$0xd];
	[sflag:s24] =	ssyncadd.s32 $0xFFFFD400  }
0x147: {  	[tilespmem:s17], [sflag:$0x3] =	stream.indirect.gather [hbm4b:s5+s16], $0x80, s10, s16, $0xb8;
	[tilespmem:$0x1F800] =	vst v63  }
0x148: {  	_ =	swait.ge [sflag:s26], $0x2C00  }
0x149: {  	[sflag:s26] =	ssyncset.done $0x0  }
0x14a: {  	s11 =	rddreg [dreg:$0xe];
	[sflag:s26] =	ssyncadd.s32 $0xFFFFD400  }
0x14b: {  	[spmem:s3] =	stream.indirect.scatter.add.f32 [tilespmem:s19], [sflag:$0x8], $0x80, s11, s16, $0xb8;
	[tilespmem:$0x1F800] =	vst v63  }
0x14c: {  	_ =	swait.ge [sflag:s28], $0x2C00  }
0x14d: {  	[sflag:s28] =	ssyncset.done $0x0  }
0x14e: {  	s12 =	rddreg [dreg:$0xf];
	[sflag:s28] =	ssyncadd.s32 $0xFFFFD400  }
0x14f: {  	[tilespmem:s19], [sflag:$0x4] =	stream.indirect.gather [hbm4b:s5+s16], $0x80, s12, s16, $0xb8;
	[tilespmem:$0x1F800] =	vst v63  }
0x150: {  	_ =	swait.ge [sflag:s29], $0x2C00  }
0x151: {  	[sflag:s29] =	ssyncset.done $0x0  }
0x152: {  	p0 =	seq.s32 s18, $0x25;
	s15 =	rddreg [dreg:$0x10];
	[sflag:s29] =	ssyncadd.s32 $0xFFFFD400  }
0x153: {  	[spmem:s3] =	stream.indirect.scatter.add.f32 [tilespmem:s21], [sflag:$0x9], $0x80, s15, s16, $0xb8;
	[tilespmem:$0x1F800] =	vst v63  }
0x154: {  	s7 =	sshrl.u32 @!p0 s20, $0x3;
	_ =	swait.ge [sflag:s30], $0x2C00  }
0x155: {  	s7 =	sadd.s32 @!p0 s6, s7;
	[sflag:s30] =	ssyncset.done $0x0  }
0x156: {  	s8 =	simm.s32 @!p0 $0x0;
	s10 =	simm.s32 @!p0 $0x13C00;
	[sflag:s30] =	ssyncadd.s32 $0xFFFFD400  }
0x157: {  	[tilespmem:s10], [sflag:$0x1] =	stream.linear.gather @!p0 [hbm4b:s7+s8], $0x600, $0x38;
	[tilespmem:$0x1F800] =	vst v63  }
0x158: {  	s20 =	rddreg [dreg:$0x11]  }
0x159: {  	[tilespmem:s21], [sflag:$0x5] =	stream.indirect.gather [hbm4b:s5+s16], $0x80, s20, s16, $0xb8;
	[tilespmem:$0x1F800] =	vst v63  }
0x15a: {  	_ =	swait.ge [sflag:s0], $0x2C00  }
0x15b: {  	[sflag:s0] =	ssyncset.done $0x0  }
0x15c: {  	s9 =	rddreg [dreg:$0x12];
	[sflag:s0] =	ssyncadd.s32 $0xFFFFD400  }
0x15d: {  	[spmem:s3] =	stream.indirect.scatter.add.f32 [tilespmem:s22], [sflag:$0xA], $0x80, s9, s16, $0xb8;
	[tilespmem:$0x1F800] =	vst v63  }
0x15e: {  	_ =	swait.ge [sflag:s1], $0x2C00  }
0x15f: {  	[sflag:s1] =	ssyncset.done $0x0  }
0x160: {  	s10 =	rddreg [dreg:$0x13];
	[sflag:s1] =	ssyncadd.s32 $0xFFFFD400  }
0x161: {  	[tilespmem:s22], [sflag:$0x6] =	stream.indirect.gather [hbm4b:s5+s16], $0x80, s10, s16, $0xb8;
	[tilespmem:$0x1F800] =	vst v63  }
0x162: {  	_ =	swait.ge [sflag:s23], $0x2C00  }
0x163: {  	[sflag:s23] =	ssyncset.done $0x0  }
0x164: {  	s11 =	rddreg [dreg:$0x14];
	[sflag:s23] =	ssyncadd.s32 $0xFFFFD400  }
0x165: {  	[spmem:s3] =	stream.indirect.scatter.add.f32 [tilespmem:s17], [sflag:$0x7], $0x80, s11, s16, $0xb8;
	[tilespmem:$0x1F800] =	vst v63  }
0x166: {  	_ =	swait.ge [sflag:s24], $0x2C00  }
0x167: {  	p0 =	sgt.u32 s18, $0x24;
	[sflag:s24] =	ssyncset.done $0x0  }
0x168: {  	s7 =	simm.s32 @p0 $0x4;
	[sflag:s24] =	ssyncadd.s32 $0xFFFFD400  }
0x169: {  	_ =	swait.ge @p0 [sflag:s7], $0x2C00  }
0x16a: {  	s8 =	simm.s32 @p0 $0x17400;
	[sflag:s7] =	ssyncset.done @p0 $0x0  }
0x16b: {  	s9 =	simm.s32 @p0 $0x58;
	[sflag:s7] =	ssyncadd.s32 @p0 $0xFFFFD400;
	s7 =	simm.s32 @p0 $0x14580  }
0x16c: {  	[spmem:s3] =	stream.indirect.scatter.add.f32 @p0 [tilespmem:s8], [sflag:$0x8], $0x80, s7, s9, $0xb8;
	[tilespmem:$0x1F800] =	vst v63  }
0x16d: {  	s7 =	simm.s32 @p0 $0x8  }
0x16e: {  	_ =	swait.ge @p0 [sflag:s7], $0x2C00  }
0x16f: {  	[sflag:s7] =	ssyncset.done @p0 $0x0  }
0x170: {  	s8 =	simm.s32 @!p0 $0x1;
	[sflag:s7] =	ssyncadd.s32 @p0 $0xFFFFD400  }
0x171: {  	_ =	swait.ge @!p0 [sflag:s8], $0x600  }
0x172: {  	s9 =	simm.s32 @!p0 $0x58;
	[sflag:s8] =	ssyncset.done @!p0 $0x0  }
0x173: {  	s7 =	simm.s32 @!p0 $0x14800;
	[sflag:s8] =	ssyncadd.s32 @!p0 $0xFFFFFA00;
	s8 =	simm.s32 @!p0 $0x13C00  }
0x174: {  	[tilespmem:s7], [sflag:$0x3] =	stream.indirect.gather @!p0 [hbm4b:s5+s9], $0x80, s8, s9, $0xb8;
	[tilespmem:$0x1F800] =	vst v63  }
0x175: {  	s7 =	simm.s32 @!p0 $0x4  }
0x176: {  	_ =	swait.ge @!p0 [sflag:s7], $0x2C00  }
0x177: {  	[sflag:s7] =	ssyncset.done @!p0 $0x0  }
0x178: {  	s8 =	simm.s32 @!p0 $0x14580;
	[sflag:s7] =	ssyncadd.s32 @!p0 $0xFFFFD400;
	s7 =	simm.s32 @!p0 $0x17400  }
0x179: {  	[spmem:s3] =	stream.indirect.scatter.add.f32 @!p0 [tilespmem:s7], [sflag:$0x8], $0x80, s8, s9, $0xb8;
	[tilespmem:$0x1F800] =	vst v63  }
0x17a: {  	s8 =	simm.s32 @!p0 $0x8  }
0x17b: {  	_ =	swait.ge @!p0 [sflag:s8], $0x2C00  }
0x17c: {  	[sflag:s8] =	ssyncset.done @!p0 $0x0  }
0x17d: {  	[sflag:s8] =	ssyncadd.s32 @!p0 $0xFFFFD400;
	s8 =	simm.s32 @!p0 $0x13D00  }
0x17e: {  	[tilespmem:s7], [sflag:$0x4] =	stream.indirect.gather @!p0 [hbm4b:s5+s9], $0x80, s8, s9, $0xb8;
	[tilespmem:$0x1F800] =	vst v63  }
0x17f: {  	_ =	swait.ge [sflag:s29], $0x2C00  }
0x180: {  	[sflag:s29] =	ssyncset.done $0x0  }
0x181: {  	s12 =	rddreg [dreg:$0x15];
	[sflag:s29] =	ssyncadd.s32 $0xFFFFD400  }
0x182: {  	[spmem:s3] =	stream.indirect.scatter.add.f32 [tilespmem:s21], [sflag:$0x9], $0x80, s12, s16, $0xb8;
	[tilespmem:$0x1F800] =	vst v63  }
0x183: {  	_ =	swait.ge [sflag:s30], $0x2C00  }
0x184: {  	[sflag:s30] =	ssyncset.done $0x0  }
0x185: {  	s7 =	simm.s32 @!p0 $0x13E00;
	s8 =	simm.s32 @!p0 $0x1A000;
	[sflag:s30] =	ssyncadd.s32 $0xFFFFD400  }
0x186: {  	[tilespmem:s8], [sflag:$0x5] =	stream.indirect.gather @!p0 [hbm4b:s5+s9], $0x80, s7, s9, $0xb8;
	[tilespmem:$0x1F800] =	vst v63  }
0x187: {  	_ =	swait.ge [sflag:s0], $0x2C00  }
0x188: {  	[sflag:s0] =	ssyncset.done $0x0  }
0x189: {  	s15 =	rddreg [dreg:$0x16];
	[sflag:s0] =	ssyncadd.s32 $0xFFFFD400  }
0x18a: {  	[spmem:s3] =	stream.indirect.scatter.add.f32 [tilespmem:s22], [sflag:$0xA], $0x80, s15, s16, $0xb8;
	[tilespmem:$0x1F800] =	vst v63  }
0x18b: {  	_ =	swait.ge [sflag:s1], $0x2C00  }
0x18c: {  	[sflag:s1] =	ssyncset.done $0x0  }
0x18d: {  	[sflag:s1] =	ssyncadd.s32 $0xFFFFD400  }
0x18e: {  	[bflag:$0x0] =	sbarrier.arrive $0xFFFF  }
0x18f: {  	s18 =	rddreg [dreg:$0x18]  }
0x190: {  	s8 =	rddreg [dreg:$0x1c]  }
0x191: {  	[hbm:s18], [sflag:s13] =	dma.local [spmem:s8], $0x2780  }
0x192: {  	_ =	swait.ge [sflag:s14], $0x2780  }
0x193: {  	s2 =	sadd.s32 $0x1, s2;
	s20 =	rddreg [dreg:$0x19]  }
0x194: {  	p0 =	sne.s32 s2, s20  }
.Ltmp1:
0x195: {  	_ = 	snop;
	(pc) =	sbr.rel @p0 .LBB2_1-.Ltmp1, $3  }
0x196: {  	_ =	sdelay $0x1  }
0x197: {  	[sflag:s14] =	ssyncset.done $0x0  }
0x198: {  	s11 =	smov.u32 s13;
	[sflag:s14] =	ssyncadd.s32 $0xFFFFD880  }
0x199: {  	_ =	sfence.sel $0x180000  }
0x19a: {  	[bflag:$0x0] =	sbarrier.arrive $0xFFFF  }
0x19b: {  	_ =	strace $0x90000047  }
0x19c: {  	s0 =	stileid.u32;
	[bflag:$0x2] =	sbarrier.arrive $0xFFFF  }
0x19d: {  	p0 =	sne.s32 s0, $0x0;
	s0 =	rddreg [dreg:$0x3]  }
0x19e: {  	s0 =	sadd.s32 @!p0 $0x100000, s0  }
0x19f: {  	[sflag:s0] =	ssyncadd.tile.s32 @!p0 $0x1;
	_ =	shalt  }
.Lfunc_end2:
_tile_overlayer_lowered:
.L_overlay_start_2:
0x1a0: {  	(tag) =	ssettag $0x2  }
0x1a1: {  	s0 =	rddreg [dreg:$0x0];
	s2 =	stileid.u32  }
0x1a2: {  	s1 =	rddreg [dreg:$0x1];
	p0 =	sne.s32 s2, $0x0  }
0x1a3: {  	s3 =	rddreg [dreg:$0x2];
	[bflag:$0x3] =	sbarrier.arrive $0xFFFF;
	s2 =	simm.s32 @!p0 $0x1C0B  }
0x1a4: {  	[timem:s3], [sflag:s2] =	dma.local @!p0 [hbm:s0], s1  }
0x1a5: {  	s0 =	simm.s32 @!p0 $0xB  }
0x1a6: {  	_ =	swait.ge @!p0 [sflag:s0], s1  }
0x1a7: {  	s1 =	ssub.s32 @!p0 $0x0, s1;
	[sflag:s0] =	ssyncset.done @!p0 $0x0  }
0x1a8: {  	[sflag:s0] =	ssyncadd.s32 @!p0 s1  }
0x1a9: {  	[bflag:$0x3] =	sbarrier.arrive $0xFFFF  }
0x1aa: {  	_ =	shalt  }

</sc_bundles>
